<compile_context>
chip_gen: v7x
topology: tpu7x:2x2x1
jax: 0.10.2.dev20260603
libtpu: 0.0.44.dev20260713+nightly
codegen_flags: <defaults>
</compile_context>

<pallas_src>
import functools

import jax
import jax.numpy as jnp
from jax import lax
from jax.experimental import pallas as pl
from jax.experimental.pallas import tpu as pltpu
from jax.experimental.pallas import tpu_sc as plsc

ROWS, COLS = 32, 8192
D = 64
NC, NS = 2, 16
NW = NC * NS
B_PER_W = ROWS * COLS // NW
CHUNK = 128
N_CHUNKS = B_PER_W // CHUNK
DT = 8

_mesh = plsc.VectorSubcoreMesh(core_axis_name="c", subcore_axis_name="s")


@functools.partial(
    pl.kernel,
    mesh=_mesh,
    out_type=jax.ShapeDtypeStruct((NW, DT, N_CHUNKS, 8, 128), jnp.float32),
    scratch_types=[
        pltpu.VMEM((B_PER_W,), jnp.int32),
        pltpu.VMEM((CHUNK, D), jnp.float32),
        pltpu.VMEM((DT, 8, 128), jnp.float32),
        pltpu.SemaphoreType.DMA,
    ],
    compiler_params=pltpu.CompilerParams(
        use_tc_tiling_on_sc=False, needs_layout_passes=False),
)
def _gather_kernel(x_hbm, table_hbm, out_hbm, idx_v, rows_v, tbuf, sem):
    wid = lax.axis_index("s") * NC + lax.axis_index("c")
    pltpu.sync_copy(x_hbm.at[wid], idx_v)

    def chunk_body(j, carry):
        pltpu.async_copy(
            table_hbm.at[idx_v.at[pl.ds(j * CHUNK, CHUNK)]], rows_v,
            sem).wait()
        def d_body(dd, c2):
            dt = dd // 8
            di = dd % 8
            for k in range(8):
                vec = plsc.load_gather(
                    rows_v, [lax.iota(jnp.int32, 16) + 16 * k,
                             jnp.full((16,), dd, jnp.int32)])
                tbuf[dt, di, pl.ds(16 * k, 16)] = vec
            return c2
        lax.fori_loop(0, D, d_body, 0)
        for dt in range(DT):
            pltpu.sync_copy(tbuf.at[dt], out_hbm.at[wid, dt, j])
        return carry

    lax.fori_loop(0, N_CHUNKS, chunk_body, 0)


def kernel(x, table):
    out5 = _gather_kernel(x, table)
    return out5.transpose(0, 2, 4, 1, 3).reshape(ROWS, COLS, D)

# --- scband reference (transcript-rebuilt; emitter-appended) ---
"""Pipeline reference for scband-sin-positional-embedding-32538672234841 (READ-ONLY COPY).

The authoritative reference and input builder live on the scoring server;
editing this copy changes nothing except your own understanding.
"""

import jax, jax.numpy as jnp
import numpy as np

P = 32768
D = 64


def _build_table():
    # Faithful replication of SinPositionalEmbedding.init_parameters
    half = D // 2
    div = 2.0 * jnp.arange(half, dtype=jnp.float32) / D  # [half]
    # interleave: even slots carry div for sin, odd slots carry div for cos
    sin_pos = jnp.stack([div, jnp.zeros(half, dtype=jnp.float32)], axis=1).reshape(-1)  # [D]
    cos_pos = jnp.stack([jnp.zeros(half, dtype=jnp.float32), div], axis=1).reshape(-1)  # [D]
    sin_use = jnp.stack([jnp.ones(half, dtype=jnp.float32), jnp.zeros(half, dtype=jnp.float32)], axis=1).reshape(-1)  # [D]
    pos = jnp.arange(P, dtype=jnp.float32)[:, None]  # [P,1] broadcasts over D
    sin_embedding = jnp.sin(pos / (10000.0 ** sin_pos[None, :]))  # [P,D]
    cos_embedding = jnp.cos(pos / (10000.0 ** cos_pos[None, :]))  # [P,D]
    table = jnp.where(sin_use[None, :] > 0, sin_embedding, cos_embedding)
    return table


def setup_inputs(seed: int = 0) -> dict:
    key = jax.random.key(seed)
    x = jax.random.randint(key, (32, 8192), 0, P, dtype=jnp.int32)
    table = _build_table()  # nn.Embedding weight (trainable parameter)
    return {"x": x, "table": table}


def reference(x, table):
    # forward: self.embedding(x)
    return jnp.take(table, x, axis=0)

if __name__ == "__main__":
    import jax
    _d = setup_inputs()
    print(jax.jit(kernel)(*tuple(_d.values())))

</pallas_src>

<mosaic_0001>
#map = affine_map<(d0, d1) -> (0, 0)>
#map1 = affine_map<(d0, d1) -> (0, 0, 0, 0, 0)>
module attributes {stable_mosaic.version = 14 : i64} {
  func.func @_gather_kernel(%arg0: i32, %arg1: i32, %arg2: memref<32x8192xi32, #tpu.memory_space<hbm>>, %arg3: memref<32768x64xf32, #tpu.memory_space<hbm>>, %arg4: memref<32x8x64x8x128xf32, #tpu.memory_space<hbm>>, %arg5: memref<8192xi32, #tpu.memory_space<vmem>>, %arg6: memref<128x64xf32, #tpu.memory_space<vmem>>, %arg7: memref<8x8x128xf32, #tpu.memory_space<vmem>>, %arg8: memref<!tpu.dma_semaphore, #tpu.memory_space<semaphore_mem>>) attributes {dimension_semantics = [#tpu.dimension_semantics<core_parallel>, #tpu.dimension_semantics<subcore_parallel>], iteration_bounds = array<i64: 2, 16>, scalar_prefetch = 0 : i64, scratch_operands = 4 : i64, tpu.core_type = #tpu.core_type<sc_vector_subcore>, window_params = [{transform_indices = #map}, {transform_indices = #map}, {transform_indices = #map1}]} {
    %mul3A = arith.constant 2 : i32
    %mul3A_0 = arith.muli %arg1, %mul3A : i32
    %add3A = arith.addi %mul3A_0, %arg0 : i32
    "tpu.region"() ({
      %run_scoped3A = tpu.sem_alloc : memref<!tpu.dma_semaphore, #tpu.memory_space<semaphore_mem>>
      %dma_start3A = arith.constant 0 : i32
      %dma_start3A_6 = tpu.memref_slice %arg2[%add3A, %dma_start3A] : memref<32x8192xi32, #tpu.memory_space<hbm>> -> memref<1x8192xi32, #tpu.memory_space<hbm>>
      %dma_start3A_7 = tpu.memref_squeeze %dma_start3A_6 : memref<1x8192xi32, #tpu.memory_space<hbm>> -> memref<8192xi32, #tpu.memory_space<hbm>>
      %dma_start3A_8 = arith.constant 0 : i32
      %dma_start3A_9 = tpu.memref_slice %arg2[%add3A, %dma_start3A_8] : memref<32x8192xi32, #tpu.memory_space<hbm>> -> memref<1x8192xi32, #tpu.memory_space<hbm>>
      %dma_start3A_10 = tpu.memref_squeeze %dma_start3A_9 : memref<1x8192xi32, #tpu.memory_space<hbm>> -> memref<8192xi32, #tpu.memory_space<hbm>>
      tpu.enqueue_dma source(%dma_start3A_10 : memref<8192xi32, #tpu.memory_space<hbm>>) target(%arg5 : memref<8192xi32, #tpu.memory_space<vmem>>) target_semaphore(%run_scoped3A : memref<!tpu.dma_semaphore, #tpu.memory_space<semaphore_mem>>)
      %dma_wait3A = arith.constant 0 : i32
      %dma_wait3A_11 = tpu.memref_slice %arg2[%add3A, %dma_wait3A] : memref<32x8192xi32, #tpu.memory_space<hbm>> -> memref<1x8192xi32, #tpu.memory_space<hbm>>
      %dma_wait3A_12 = tpu.memref_squeeze %dma_wait3A_11 : memref<1x8192xi32, #tpu.memory_space<hbm>> -> memref<8192xi32, #tpu.memory_space<hbm>>
      %dma_wait3A_13 = arith.constant 0 : i32
      %dma_wait3A_14 = tpu.memref_slice %arg2[%add3A, %dma_wait3A_13] : memref<32x8192xi32, #tpu.memory_space<hbm>> -> memref<1x8192xi32, #tpu.memory_space<hbm>>
      %dma_wait3A_15 = tpu.memref_squeeze %dma_wait3A_14 : memref<1x8192xi32, #tpu.memory_space<hbm>> -> memref<8192xi32, #tpu.memory_space<hbm>>
      tpu.wait_dma2 semaphore(%run_scoped3A : memref<!tpu.dma_semaphore, #tpu.memory_space<semaphore_mem>>) src(%dma_wait3A_15 : memref<8192xi32, #tpu.memory_space<hbm>>) dst(%arg5 : memref<8192xi32, #tpu.memory_space<vmem>>)
      tpu.yield
    }) : () -> ()
    %scan3A = arith.constant 0 : i32
    %scan3A_1 = arith.constant 0 : i32
    %scan3A_2 = arith.constant 64 : i32
    %scan3A_3 = arith.addi %scan3A_1, %scan3A_2 : i32
    %scan3A_4 = arith.constant 1 : i32
    scf.for %scan3A_6 = %scan3A_1 to %scan3A_3 step %scan3A_4  : i32 {
      %mul3A_7 = arith.constant 128 : i32
      %mul3A_8 = arith.muli %scan3A_6, %mul3A_7 : i32
      %dma_start3A = tpu.memref_slice %arg5[%mul3A_8] : memref<8192xi32, #tpu.memory_space<vmem>> -> memref<128xi32, #tpu.memory_space<vmem>>
      %dma_start3A_9 = arith.constant 0 : i32
      %dma_start3A_10 = arith.constant 0 : i32
      %dma_start3A_11 = tpu.memref_slice %arg3[%dma_start3A_9, %dma_start3A_10] : memref<32768x64xf32, #tpu.memory_space<hbm>> -> memref<32768x64xf32, #tpu.memory_space<hbm>>
      tpu.enqueue_indirect_dma source(%dma_start3A_11 : memref<32768x64xf32, #tpu.memory_space<hbm>>) target(%arg6 : memref<128x64xf32, #tpu.memory_space<vmem>>) offsets(%dma_start3A : memref<128xi32, #tpu.memory_space<vmem>>) semaphore(%arg8 : memref<!tpu.dma_semaphore, #tpu.memory_space<semaphore_mem>>)
      %dma_wait3A = tpu.memref_slice %arg5[%mul3A_8] : memref<8192xi32, #tpu.memory_space<vmem>> -> memref<128xi32, #tpu.memory_space<vmem>>
      %dma_wait3A_12 = arith.constant 0 : i32
      %dma_wait3A_13 = arith.constant 0 : i32
      %dma_wait3A_14 = tpu.memref_slice %arg3[%dma_wait3A_12, %dma_wait3A_13] : memref<32768x64xf32, #tpu.memory_space<hbm>> -> memref<32768x64xf32, #tpu.memory_space<hbm>>
      tpu.wait_indirect_dma semaphore(%arg8 : memref<!tpu.dma_semaphore, #tpu.memory_space<semaphore_mem>>) src(%dma_wait3A_14 : memref<32768x64xf32, #tpu.memory_space<hbm>>) dst(%arg6 : memref<128x64xf32, #tpu.memory_space<vmem>>)
      %scan3A_15 = arith.constant 0 : i32
      %scan3A_16 = arith.constant 0 : i32
      %scan3A_17 = arith.constant 64 : i32
      %scan3A_18 = arith.addi %scan3A_16, %scan3A_17 : i32
      %scan3A_19 = arith.constant 1 : i32
      scf.for %scan3A_36 = %scan3A_16 to %scan3A_18 step %scan3A_19  : i32 {
        %jit3A = arith.constant 8 : i32
        %div3A = arith.divsi %scan3A_36, %jit3A : i32
        %sign3A = arith.constant 0 : i32
        %sign3A_37 = arith.cmpi sgt, %scan3A_36, %sign3A : i32
        %sign3A_38 = arith.extui %sign3A_37 : i1 to i32
        %sign3A_39 = arith.constant 0 : i32
        %sign3A_40 = arith.cmpi slt, %scan3A_36, %sign3A_39 : i32
        %sign3A_41 = arith.extui %sign3A_40 : i1 to i32
        %sign3A_42 = arith.subi %sign3A_38, %sign3A_41 : i32
        %sign3A_43 = arith.constant 0 : i32
        %sign3A_44 = arith.cmpi sgt, %jit3A, %sign3A_43 : i32
        %sign3A_45 = arith.extui %sign3A_44 : i1 to i32
        %sign3A_46 = arith.constant 0 : i32
        %sign3A_47 = arith.cmpi slt, %jit3A, %sign3A_46 : i32
        %sign3A_48 = arith.extui %sign3A_47 : i1 to i32
        %sign3A_49 = arith.subi %sign3A_45, %sign3A_48 : i32
        %ne3A = arith.cmpi ne, %sign3A_42, %sign3A_49 : i32
        %rem3A = arith.remsi %scan3A_36, %jit3A : i32
        %ne3A_50 = arith.constant 0 : i32
        %ne3A_51 = arith.cmpi ne, %rem3A, %ne3A_50 : i32
        %and3A = arith.andi %ne3A, %ne3A_51 : i1
        %sub3A = arith.constant 1 : i32
        %sub3A_52 = arith.subi %div3A, %sub3A : i32
        %select_n3A = arith.select %and3A, %sub3A_52, %div3A : i32
        %jit3A_53 = arith.constant 8 : i32
        %eq3A = arith.constant 0 : i32
        %eq3A_54 = arith.cmpi eq, %jit3A_53, %eq3A : i32
        %jit3A_55 = arith.constant 1 : i32
        %select_n3A_56 = arith.select %eq3A_54, %jit3A_55, %jit3A_53 : i32
        %rem3A_57 = arith.remsi %scan3A_36, %select_n3A_56 : i32
        %ne3A_58 = arith.constant 0 : i32
        %ne3A_59 = arith.cmpi ne, %rem3A_57, %ne3A_58 : i32
        %lt3A = arith.constant 0 : i32
        %lt3A_60 = arith.cmpi slt, %rem3A_57, %lt3A : i32
        %lt3A_61 = arith.constant 0 : i32
        %lt3A_62 = arith.cmpi slt, %select_n3A_56, %lt3A_61 : i32
        %ne3A_63 = arith.xori %lt3A_60, %lt3A_62 : i1
        %and3A_64 = arith.andi %ne3A_63, %ne3A_59 : i1
        %add3A_65 = arith.addi %rem3A_57, %select_n3A_56 : i32
        %select_n3A_66 = arith.select %and3A_64, %add3A_65, %rem3A_57 : i32
        %iota3A = tpu.iota {dimensions = array<i32: 0>} : vector<16xi32>
        %add3A_67 = arith.constant 0 : i32
        %add3A_68 = vector.broadcast %add3A_67 : i32 to vector<16xi32>
        %add3A_69 = arith.addi %iota3A, %add3A_68 : vector<16xi32>
        %broadcast_in_dim3A = vector.broadcast %scan3A_36 : i32 to vector<16xi32>
        %gather3A = tpu.vector_load_idx %arg6[%add3A_69, %broadcast_in_dim3A] : memref<128x64xf32, #tpu.memory_space<vmem>>[vector<16xi32>, vector<16xi32>], vector<16xf32>,
        %swap3A = arith.index_cast %select_n3A : i32 to index
        %swap3A_70 = arith.index_cast %select_n3A_66 : i32 to index
        %swap3A_71 = arith.constant 0 : index
        %swap3A_72 = tpu.vector_load %arg7[%swap3A, %swap3A_70, %swap3A_71] {strides = array<i32>} : memref<8x8x128xf32, #tpu.memory_space<vmem>>, vector<16xf32>,
        tpu.vector_store %arg7[%swap3A, %swap3A_70, %swap3A_71], %gather3A {strides = array<i32>} : memref<8x8x128xf32, #tpu.memory_space<vmem>>, vector<16xf32>,
        %iota3A_73 = tpu.iota {dimensions = array<i32: 0>} : vector<16xi32>
        %add3A_74 = arith.constant 16 : i32
        %add3A_75 = vector.broadcast %add3A_74 : i32 to vector<16xi32>
        %add3A_76 = arith.addi %iota3A_73, %add3A_75 : vector<16xi32>
        %broadcast_in_dim3A_77 = vector.broadcast %scan3A_36 : i32 to vector<16xi32>
        %gather3A_78 = tpu.vector_load_idx %arg6[%add3A_76, %broadcast_in_dim3A_77] : memref<128x64xf32, #tpu.memory_space<vmem>>[vector<16xi32>, vector<16xi32>], vector<16xf32>,
        %swap3A_79 = arith.index_cast %select_n3A : i32 to index
        %swap3A_80 = arith.index_cast %select_n3A_66 : i32 to index
        %swap3A_81 = arith.constant 16 : index
        %swap3A_82 = tpu.vector_load %arg7[%swap3A_79, %swap3A_80, %swap3A_81] {strides = array<i32>} : memref<8x8x128xf32, #tpu.memory_space<vmem>>, vector<16xf32>,
        tpu.vector_store %arg7[%swap3A_79, %swap3A_80, %swap3A_81], %gather3A_78 {strides = array<i32>} : memref<8x8x128xf32, #tpu.memory_space<vmem>>, vector<16xf32>,
        %iota3A_83 = tpu.iota {dimensions = array<i32: 0>} : vector<16xi32>
        %add3A_84 = arith.constant 32 : i32
        %add3A_85 = vector.broadcast %add3A_84 : i32 to vector<16xi32>
        %add3A_86 = arith.addi %iota3A_83, %add3A_85 : vector<16xi32>
        %broadcast_in_dim3A_87 = vector.broadcast %scan3A_36 : i32 to vector<16xi32>
        %gather3A_88 = tpu.vector_load_idx %arg6[%add3A_86, %broadcast_in_dim3A_87] : memref<128x64xf32, #tpu.memory_space<vmem>>[vector<16xi32>, vector<16xi32>], vector<16xf32>,
        %swap3A_89 = arith.index_cast %select_n3A : i32 to index
        %swap3A_90 = arith.index_cast %select_n3A_66 : i32 to index
        %swap3A_91 = arith.constant 32 : index
        %swap3A_92 = tpu.vector_load %arg7[%swap3A_89, %swap3A_90, %swap3A_91] {strides = array<i32>} : memref<8x8x128xf32, #tpu.memory_space<vmem>>, vector<16xf32>,
        tpu.vector_store %arg7[%swap3A_89, %swap3A_90, %swap3A_91], %gather3A_88 {strides = array<i32>} : memref<8x8x128xf32, #tpu.memory_space<vmem>>, vector<16xf32>,
        %iota3A_93 = tpu.iota {dimensions = array<i32: 0>} : vector<16xi32>
        %add3A_94 = arith.constant 48 : i32
        %add3A_95 = vector.broadcast %add3A_94 : i32 to vector<16xi32>
        %add3A_96 = arith.addi %iota3A_93, %add3A_95 : vector<16xi32>
        %broadcast_in_dim3A_97 = vector.broadcast %scan3A_36 : i32 to vector<16xi32>
        %gather3A_98 = tpu.vector_load_idx %arg6[%add3A_96, %broadcast_in_dim3A_97] : memref<128x64xf32, #tpu.memory_space<vmem>>[vector<16xi32>, vector<16xi32>], vector<16xf32>,
        %swap3A_99 = arith.index_cast %select_n3A : i32 to index
        %swap3A_100 = arith.index_cast %select_n3A_66 : i32 to index
        %swap3A_101 = arith.constant 48 : index
        %swap3A_102 = tpu.vector_load %arg7[%swap3A_99, %swap3A_100, %swap3A_101] {strides = array<i32>} : memref<8x8x128xf32, #tpu.memory_space<vmem>>, vector<16xf32>,
        tpu.vector_store %arg7[%swap3A_99, %swap3A_100, %swap3A_101], %gather3A_98 {strides = array<i32>} : memref<8x8x128xf32, #tpu.memory_space<vmem>>, vector<16xf32>,
        %iota3A_103 = tpu.iota {dimensions = array<i32: 0>} : vector<16xi32>
        %add3A_104 = arith.constant 64 : i32
        %add3A_105 = vector.broadcast %add3A_104 : i32 to vector<16xi32>
        %add3A_106 = arith.addi %iota3A_103, %add3A_105 : vector<16xi32>
        %broadcast_in_dim3A_107 = vector.broadcast %scan3A_36 : i32 to vector<16xi32>
        %gather3A_108 = tpu.vector_load_idx %arg6[%add3A_106, %broadcast_in_dim3A_107] : memref<128x64xf32, #tpu.memory_space<vmem>>[vector<16xi32>, vector<16xi32>], vector<16xf32>,
        %swap3A_109 = arith.index_cast %select_n3A : i32 to index
        %swap3A_110 = arith.index_cast %select_n3A_66 : i32 to index
        %swap3A_111 = arith.constant 64 : index
        %swap3A_112 = tpu.vector_load %arg7[%swap3A_109, %swap3A_110, %swap3A_111] {strides = array<i32>} : memref<8x8x128xf32, #tpu.memory_space<vmem>>, vector<16xf32>,
        tpu.vector_store %arg7[%swap3A_109, %swap3A_110, %swap3A_111], %gather3A_108 {strides = array<i32>} : memref<8x8x128xf32, #tpu.memory_space<vmem>>, vector<16xf32>,
        %iota3A_113 = tpu.iota {dimensions = array<i32: 0>} : vector<16xi32>
        %add3A_114 = arith.constant 80 : i32
        %add3A_115 = vector.broadcast %add3A_114 : i32 to vector<16xi32>
        %add3A_116 = arith.addi %iota3A_113, %add3A_115 : vector<16xi32>
        %broadcast_in_dim3A_117 = vector.broadcast %scan3A_36 : i32 to vector<16xi32>
        %gather3A_118 = tpu.vector_load_idx %arg6[%add3A_116, %broadcast_in_dim3A_117] : memref<128x64xf32, #tpu.memory_space<vmem>>[vector<16xi32>, vector<16xi32>], vector<16xf32>,
        %swap3A_119 = arith.index_cast %select_n3A : i32 to index
        %swap3A_120 = arith.index_cast %select_n3A_66 : i32 to index
        %swap3A_121 = arith.constant 80 : index
        %swap3A_122 = tpu.vector_load %arg7[%swap3A_119, %swap3A_120, %swap3A_121] {strides = array<i32>} : memref<8x8x128xf32, #tpu.memory_space<vmem>>, vector<16xf32>,
        tpu.vector_store %arg7[%swap3A_119, %swap3A_120, %swap3A_121], %gather3A_118 {strides = array<i32>} : memref<8x8x128xf32, #tpu.memory_space<vmem>>, vector<16xf32>,
        %iota3A_123 = tpu.iota {dimensions = array<i32: 0>} : vector<16xi32>
        %add3A_124 = arith.constant 96 : i32
        %add3A_125 = vector.broadcast %add3A_124 : i32 to vector<16xi32>
        %add3A_126 = arith.addi %iota3A_123, %add3A_125 : vector<16xi32>
        %broadcast_in_dim3A_127 = vector.broadcast %scan3A_36 : i32 to vector<16xi32>
        %gather3A_128 = tpu.vector_load_idx %arg6[%add3A_126, %broadcast_in_dim3A_127] : memref<128x64xf32, #tpu.memory_space<vmem>>[vector<16xi32>, vector<16xi32>], vector<16xf32>,
        %swap3A_129 = arith.index_cast %select_n3A : i32 to index
        %swap3A_130 = arith.index_cast %select_n3A_66 : i32 to index
        %swap3A_131 = arith.constant 96 : index
        %swap3A_132 = tpu.vector_load %arg7[%swap3A_129, %swap3A_130, %swap3A_131] {strides = array<i32>} : memref<8x8x128xf32, #tpu.memory_space<vmem>>, vector<16xf32>,
        tpu.vector_store %arg7[%swap3A_129, %swap3A_130, %swap3A_131], %gather3A_128 {strides = array<i32>} : memref<8x8x128xf32, #tpu.memory_space<vmem>>, vector<16xf32>,
        %iota3A_133 = tpu.iota {dimensions = array<i32: 0>} : vector<16xi32>
        %add3A_134 = arith.constant 112 : i32
        %add3A_135 = vector.broadcast %add3A_134 : i32 to vector<16xi32>
        %add3A_136 = arith.addi %iota3A_133, %add3A_135 : vector<16xi32>
        %broadcast_in_dim3A_137 = vector.broadcast %scan3A_36 : i32 to vector<16xi32>
        %gather3A_138 = tpu.vector_load_idx %arg6[%add3A_136, %broadcast_in_dim3A_137] : memref<128x64xf32, #tpu.memory_space<vmem>>[vector<16xi32>, vector<16xi32>], vector<16xf32>,
        %swap3A_139 = arith.index_cast %select_n3A : i32 to index
        %swap3A_140 = arith.index_cast %select_n3A_66 : i32 to index
        %swap3A_141 = arith.constant 112 : index
        %swap3A_142 = tpu.vector_load %arg7[%swap3A_139, %swap3A_140, %swap3A_141] {strides = array<i32>} : memref<8x8x128xf32, #tpu.memory_space<vmem>>, vector<16xf32>,
        tpu.vector_store %arg7[%swap3A_139, %swap3A_140, %swap3A_141], %gather3A_138 {strides = array<i32>} : memref<8x8x128xf32, #tpu.memory_space<vmem>>, vector<16xf32>,
      }
      %scan3A_20 = arith.constant 64 : i32
      %run_scoped3A = arith.constant 0 : i32
      %run_scoped3A_21 = arith.constant 0 : i32
      "tpu.region"() ({
        %run_scoped3A_36 = tpu.sem_alloc : memref<!tpu.dma_semaphore, #tpu.memory_space<semaphore_mem>>
        %dma_start3A_37 = arith.constant 0 : i32
        %dma_start3A_38 = arith.constant 0 : i32
        %dma_start3A_39 = tpu.memref_slice %arg7[%run_scoped3A, %dma_start3A_37, %dma_start3A_38] : memref<8x8x128xf32, #tpu.memory_space<vmem>> -> memref<1x8x128xf32, #tpu.memory_space<vmem>>
        %dma_start3A_40 = tpu.memref_squeeze %dma_start3A_39 : memref<1x8x128xf32, #tpu.memory_space<vmem>> -> memref<8x128xf32, #tpu.memory_space<vmem>>
        %dma_start3A_41 = arith.constant 0 : i32
        %dma_start3A_42 = arith.constant 0 : i32
        %dma_start3A_43 = tpu.memref_slice %arg4[%add3A, %run_scoped3A_21, %scan3A_6, %dma_start3A_41, %dma_start3A_42] : memref<32x8x64x8x128xf32, #tpu.memory_space<hbm>> -> memref<1x1x1x8x128xf32, #tpu.memory_space<hbm>>
        %dma_start3A_44 = tpu.memref_squeeze %dma_start3A_43 : memref<1x1x1x8x128xf32, #tpu.memory_space<hbm>> -> memref<8x128xf32, #tpu.memory_space<hbm>>
        %dma_start3A_45 = arith.constant 0 : i32
        %dma_start3A_46 = arith.constant 0 : i32
        %dma_start3A_47 = tpu.memref_slice %arg4[%add3A, %run_scoped3A_21, %scan3A_6, %dma_start3A_45, %dma_start3A_46] : memref<32x8x64x8x128xf32, #tpu.memory_space<hbm>> -> memref<1x1x1x8x128xf32, #tpu.memory_space<hbm>>
        %dma_start3A_48 = tpu.memref_squeeze %dma_start3A_47 : memref<1x1x1x8x128xf32, #tpu.memory_space<hbm>> -> memref<8x128xf32, #tpu.memory_space<hbm>>
        %dma_start3A_49 = arith.constant 0 : i32
        %dma_start3A_50 = arith.constant 0 : i32
        %dma_start3A_51 = tpu.memref_slice %arg7[%run_scoped3A, %dma_start3A_49, %dma_start3A_50] : memref<8x8x128xf32, #tpu.memory_space<vmem>> -> memref<1x8x128xf32, #tpu.memory_space<vmem>>
        %dma_start3A_52 = tpu.memref_squeeze %dma_start3A_51 : memref<1x8x128xf32, #tpu.memory_space<vmem>> -> memref<8x128xf32, #tpu.memory_space<vmem>>
        tpu.enqueue_dma source(%dma_start3A_52 : memref<8x128xf32, #tpu.memory_space<vmem>>) target(%dma_start3A_48 : memref<8x128xf32, #tpu.memory_space<hbm>>) target_semaphore(%run_scoped3A_36 : memref<!tpu.dma_semaphore, #tpu.memory_space<semaphore_mem>>)
        %dma_wait3A_53 = arith.constant 0 : i32
        %dma_wait3A_54 = arith.constant 0 : i32
        %dma_wait3A_55 = tpu.memref_slice %arg7[%run_scoped3A, %dma_wait3A_53, %dma_wait3A_54] : memref<8x8x128xf32, #tpu.memory_space<vmem>> -> memref<1x8x128xf32, #tpu.memory_space<vmem>>
        %dma_wait3A_56 = tpu.memref_squeeze %dma_wait3A_55 : memref<1x8x128xf32, #tpu.memory_space<vmem>> -> memref<8x128xf32, #tpu.memory_space<vmem>>
        %dma_wait3A_57 = arith.constant 0 : i32
        %dma_wait3A_58 = arith.constant 0 : i32
        %dma_wait3A_59 = tpu.memref_slice %arg4[%add3A, %run_scoped3A_21, %scan3A_6, %dma_wait3A_57, %dma_wait3A_58] : memref<32x8x64x8x128xf32, #tpu.memory_space<hbm>> -> memref<1x1x1x8x128xf32, #tpu.memory_space<hbm>>
        %dma_wait3A_60 = tpu.memref_squeeze %dma_wait3A_59 : memref<1x1x1x8x128xf32, #tpu.memory_space<hbm>> -> memref<8x128xf32, #tpu.memory_space<hbm>>
        %dma_wait3A_61 = arith.constant 0 : i32
        %dma_wait3A_62 = arith.constant 0 : i32
        %dma_wait3A_63 = tpu.memref_slice %arg4[%add3A, %run_scoped3A_21, %scan3A_6, %dma_wait3A_61, %dma_wait3A_62] : memref<32x8x64x8x128xf32, #tpu.memory_space<hbm>> -> memref<1x1x1x8x128xf32, #tpu.memory_space<hbm>>
        %dma_wait3A_64 = tpu.memref_squeeze %dma_wait3A_63 : memref<1x1x1x8x128xf32, #tpu.memory_space<hbm>> -> memref<8x128xf32, #tpu.memory_space<hbm>>
        %dma_wait3A_65 = arith.constant 0 : i32
        %dma_wait3A_66 = arith.constant 0 : i32
        %dma_wait3A_67 = tpu.memref_slice %arg7[%run_scoped3A, %dma_wait3A_65, %dma_wait3A_66] : memref<8x8x128xf32, #tpu.memory_space<vmem>> -> memref<1x8x128xf32, #tpu.memory_space<vmem>>
        %dma_wait3A_68 = tpu.memref_squeeze %dma_wait3A_67 : memref<1x8x128xf32, #tpu.memory_space<vmem>> -> memref<8x128xf32, #tpu.memory_space<vmem>>
        tpu.wait_dma2 semaphore(%run_scoped3A_36 : memref<!tpu.dma_semaphore, #tpu.memory_space<semaphore_mem>>) src(%dma_wait3A_68 : memref<8x128xf32, #tpu.memory_space<vmem>>) dst(%dma_wait3A_64 : memref<8x128xf32, #tpu.memory_space<hbm>>)
        tpu.yield
      }) : () -> ()
      %run_scoped3A_22 = arith.constant 1 : i32
      %run_scoped3A_23 = arith.constant 1 : i32
      "tpu.region"() ({
        %run_scoped3A_36 = tpu.sem_alloc : memref<!tpu.dma_semaphore, #tpu.memory_space<semaphore_mem>>
        %dma_start3A_37 = arith.constant 0 : i32
        %dma_start3A_38 = arith.constant 0 : i32
        %dma_start3A_39 = tpu.memref_slice %arg7[%run_scoped3A_22, %dma_start3A_37, %dma_start3A_38] : memref<8x8x128xf32, #tpu.memory_space<vmem>> -> memref<1x8x128xf32, #tpu.memory_space<vmem>>
        %dma_start3A_40 = tpu.memref_squeeze %dma_start3A_39 : memref<1x8x128xf32, #tpu.memory_space<vmem>> -> memref<8x128xf32, #tpu.memory_space<vmem>>
        %dma_start3A_41 = arith.constant 0 : i32
        %dma_start3A_42 = arith.constant 0 : i32
        %dma_start3A_43 = tpu.memref_slice %arg4[%add3A, %run_scoped3A_23, %scan3A_6, %dma_start3A_41, %dma_start3A_42] : memref<32x8x64x8x128xf32, #tpu.memory_space<hbm>> -> memref<1x1x1x8x128xf32, #tpu.memory_space<hbm>>
        %dma_start3A_44 = tpu.memref_squeeze %dma_start3A_43 : memref<1x1x1x8x128xf32, #tpu.memory_space<hbm>> -> memref<8x128xf32, #tpu.memory_space<hbm>>
        %dma_start3A_45 = arith.constant 0 : i32
        %dma_start3A_46 = arith.constant 0 : i32
        %dma_start3A_47 = tpu.memref_slice %arg4[%add3A, %run_scoped3A_23, %scan3A_6, %dma_start3A_45, %dma_start3A_46] : memref<32x8x64x8x128xf32, #tpu.memory_space<hbm>> -> memref<1x1x1x8x128xf32, #tpu.memory_space<hbm>>
        %dma_start3A_48 = tpu.memref_squeeze %dma_start3A_47 : memref<1x1x1x8x128xf32, #tpu.memory_space<hbm>> -> memref<8x128xf32, #tpu.memory_space<hbm>>
        %dma_start3A_49 = arith.constant 0 : i32
        %dma_start3A_50 = arith.constant 0 : i32
        %dma_start3A_51 = tpu.memref_slice %arg7[%run_scoped3A_22, %dma_start3A_49, %dma_start3A_50] : memref<8x8x128xf32, #tpu.memory_space<vmem>> -> memref<1x8x128xf32, #tpu.memory_space<vmem>>
        %dma_start3A_52 = tpu.memref_squeeze %dma_start3A_51 : memref<1x8x128xf32, #tpu.memory_space<vmem>> -> memref<8x128xf32, #tpu.memory_space<vmem>>
        tpu.enqueue_dma source(%dma_start3A_52 : memref<8x128xf32, #tpu.memory_space<vmem>>) target(%dma_start3A_48 : memref<8x128xf32, #tpu.memory_space<hbm>>) target_semaphore(%run_scoped3A_36 : memref<!tpu.dma_semaphore, #tpu.memory_space<semaphore_mem>>)
        %dma_wait3A_53 = arith.constant 0 : i32
        %dma_wait3A_54 = arith.constant 0 : i32
        %dma_wait3A_55 = tpu.memref_slice %arg7[%run_scoped3A_22, %dma_wait3A_53, %dma_wait3A_54] : memref<8x8x128xf32, #tpu.memory_space<vmem>> -> memref<1x8x128xf32, #tpu.memory_space<vmem>>
        %dma_wait3A_56 = tpu.memref_squeeze %dma_wait3A_55 : memref<1x8x128xf32, #tpu.memory_space<vmem>> -> memref<8x128xf32, #tpu.memory_space<vmem>>
        %dma_wait3A_57 = arith.constant 0 : i32
        %dma_wait3A_58 = arith.constant 0 : i32
        %dma_wait3A_59 = tpu.memref_slice %arg4[%add3A, %run_scoped3A_23, %scan3A_6, %dma_wait3A_57, %dma_wait3A_58] : memref<32x8x64x8x128xf32, #tpu.memory_space<hbm>> -> memref<1x1x1x8x128xf32, #tpu.memory_space<hbm>>
        %dma_wait3A_60 = tpu.memref_squeeze %dma_wait3A_59 : memref<1x1x1x8x128xf32, #tpu.memory_space<hbm>> -> memref<8x128xf32, #tpu.memory_space<hbm>>
        %dma_wait3A_61 = arith.constant 0 : i32
        %dma_wait3A_62 = arith.constant 0 : i32
        %dma_wait3A_63 = tpu.memref_slice %arg4[%add3A, %run_scoped3A_23, %scan3A_6, %dma_wait3A_61, %dma_wait3A_62] : memref<32x8x64x8x128xf32, #tpu.memory_space<hbm>> -> memref<1x1x1x8x128xf32, #tpu.memory_space<hbm>>
        %dma_wait3A_64 = tpu.memref_squeeze %dma_wait3A_63 : memref<1x1x1x8x128xf32, #tpu.memory_space<hbm>> -> memref<8x128xf32, #tpu.memory_space<hbm>>
        %dma_wait3A_65 = arith.constant 0 : i32
        %dma_wait3A_66 = arith.constant 0 : i32
        %dma_wait3A_67 = tpu.memref_slice %arg7[%run_scoped3A_22, %dma_wait3A_65, %dma_wait3A_66] : memref<8x8x128xf32, #tpu.memory_space<vmem>> -> memref<1x8x128xf32, #tpu.memory_space<vmem>>
        %dma_wait3A_68 = tpu.memref_squeeze %dma_wait3A_67 : memref<1x8x128xf32, #tpu.memory_space<vmem>> -> memref<8x128xf32, #tpu.memory_space<vmem>>
        tpu.wait_dma2 semaphore(%run_scoped3A_36 : memref<!tpu.dma_semaphore, #tpu.memory_space<semaphore_mem>>) src(%dma_wait3A_68 : memref<8x128xf32, #tpu.memory_space<vmem>>) dst(%dma_wait3A_64 : memref<8x128xf32, #tpu.memory_space<hbm>>)
        tpu.yield
      }) : () -> ()
      %run_scoped3A_24 = arith.constant 2 : i32
      %run_scoped3A_25 = arith.constant 2 : i32
      "tpu.region"() ({
        %run_scoped3A_36 = tpu.sem_alloc : memref<!tpu.dma_semaphore, #tpu.memory_space<semaphore_mem>>
        %dma_start3A_37 = arith.constant 0 : i32
        %dma_start3A_38 = arith.constant 0 : i32
        %dma_start3A_39 = tpu.memref_slice %arg7[%run_scoped3A_24, %dma_start3A_37, %dma_start3A_38] : memref<8x8x128xf32, #tpu.memory_space<vmem>> -> memref<1x8x128xf32, #tpu.memory_space<vmem>>
        %dma_start3A_40 = tpu.memref_squeeze %dma_start3A_39 : memref<1x8x128xf32, #tpu.memory_space<vmem>> -> memref<8x128xf32, #tpu.memory_space<vmem>>
        %dma_start3A_41 = arith.constant 0 : i32
        %dma_start3A_42 = arith.constant 0 : i32
        %dma_start3A_43 = tpu.memref_slice %arg4[%add3A, %run_scoped3A_25, %scan3A_6, %dma_start3A_41, %dma_start3A_42] : memref<32x8x64x8x128xf32, #tpu.memory_space<hbm>> -> memref<1x1x1x8x128xf32, #tpu.memory_space<hbm>>
        %dma_start3A_44 = tpu.memref_squeeze %dma_start3A_43 : memref<1x1x1x8x128xf32, #tpu.memory_space<hbm>> -> memref<8x128xf32, #tpu.memory_space<hbm>>
        %dma_start3A_45 = arith.constant 0 : i32
        %dma_start3A_46 = arith.constant 0 : i32
        %dma_start3A_47 = tpu.memref_slice %arg4[%add3A, %run_scoped3A_25, %scan3A_6, %dma_start3A_45, %dma_start3A_46] : memref<32x8x64x8x128xf32, #tpu.memory_space<hbm>> -> memref<1x1x1x8x128xf32, #tpu.memory_space<hbm>>
        %dma_start3A_48 = tpu.memref_squeeze %dma_start3A_47 : memref<1x1x1x8x128xf32, #tpu.memory_space<hbm>> -> memref<8x128xf32, #tpu.memory_space<hbm>>
        %dma_start3A_49 = arith.constant 0 : i32
        %dma_start3A_50 = arith.constant 0 : i32
        %dma_start3A_51 = tpu.memref_slice %arg7[%run_scoped3A_24, %dma_start3A_49, %dma_start3A_50] : memref<8x8x128xf32, #tpu.memory_space<vmem>> -> memref<1x8x128xf32, #tpu.memory_space<vmem>>
        %dma_start3A_52 = tpu.memref_squeeze %dma_start3A_51 : memref<1x8x128xf32, #tpu.memory_space<vmem>> -> memref<8x128xf32, #tpu.memory_space<vmem>>
        tpu.enqueue_dma source(%dma_start3A_52 : memref<8x128xf32, #tpu.memory_space<vmem>>) target(%dma_start3A_48 : memref<8x128xf32, #tpu.memory_space<hbm>>) target_semaphore(%run_scoped3A_36 : memref<!tpu.dma_semaphore, #tpu.memory_space<semaphore_mem>>)
        %dma_wait3A_53 = arith.constant 0 : i32
        %dma_wait3A_54 = arith.constant 0 : i32
        %dma_wait3A_55 = tpu.memref_slice %arg7[%run_scoped3A_24, %dma_wait3A_53, %dma_wait3A_54] : memref<8x8x128xf32, #tpu.memory_space<vmem>> -> memref<1x8x128xf32, #tpu.memory_space<vmem>>
        %dma_wait3A_56 = tpu.memref_squeeze %dma_wait3A_55 : memref<1x8x128xf32, #tpu.memory_space<vmem>> -> memref<8x128xf32, #tpu.memory_space<vmem>>
        %dma_wait3A_57 = arith.constant 0 : i32
        %dma_wait3A_58 = arith.constant 0 : i32
        %dma_wait3A_59 = tpu.memref_slice %arg4[%add3A, %run_scoped3A_25, %scan3A_6, %dma_wait3A_57, %dma_wait3A_58] : memref<32x8x64x8x128xf32, #tpu.memory_space<hbm>> -> memref<1x1x1x8x128xf32, #tpu.memory_space<hbm>>
        %dma_wait3A_60 = tpu.memref_squeeze %dma_wait3A_59 : memref<1x1x1x8x128xf32, #tpu.memory_space<hbm>> -> memref<8x128xf32, #tpu.memory_space<hbm>>
        %dma_wait3A_61 = arith.constant 0 : i32
        %dma_wait3A_62 = arith.constant 0 : i32
        %dma_wait3A_63 = tpu.memref_slice %arg4[%add3A, %run_scoped3A_25, %scan3A_6, %dma_wait3A_61, %dma_wait3A_62] : memref<32x8x64x8x128xf32, #tpu.memory_space<hbm>> -> memref<1x1x1x8x128xf32, #tpu.memory_space<hbm>>
        %dma_wait3A_64 = tpu.memref_squeeze %dma_wait3A_63 : memref<1x1x1x8x128xf32, #tpu.memory_space<hbm>> -> memref<8x128xf32, #tpu.memory_space<hbm>>
        %dma_wait3A_65 = arith.constant 0 : i32
        %dma_wait3A_66 = arith.constant 0 : i32
        %dma_wait3A_67 = tpu.memref_slice %arg7[%run_scoped3A_24, %dma_wait3A_65, %dma_wait3A_66] : memref<8x8x128xf32, #tpu.memory_space<vmem>> -> memref<1x8x128xf32, #tpu.memory_space<vmem>>
        %dma_wait3A_68 = tpu.memref_squeeze %dma_wait3A_67 : memref<1x8x128xf32, #tpu.memory_space<vmem>> -> memref<8x128xf32, #tpu.memory_space<vmem>>
        tpu.wait_dma2 semaphore(%run_scoped3A_36 : memref<!tpu.dma_semaphore, #tpu.memory_space<semaphore_mem>>) src(%dma_wait3A_68 : memref<8x128xf32, #tpu.memory_space<vmem>>) dst(%dma_wait3A_64 : memref<8x128xf32, #tpu.memory_space<hbm>>)
        tpu.yield
      }) : () -> ()
      %run_scoped3A_26 = arith.constant 3 : i32
      %run_scoped3A_27 = arith.constant 3 : i32
      "tpu.region"() ({
        %run_scoped3A_36 = tpu.sem_alloc : memref<!tpu.dma_semaphore, #tpu.memory_space<semaphore_mem>>
        %dma_start3A_37 = arith.constant 0 : i32
        %dma_start3A_38 = arith.constant 0 : i32
        %dma_start3A_39 = tpu.memref_slice %arg7[%run_scoped3A_26, %dma_start3A_37, %dma_start3A_38] : memref<8x8x128xf32, #tpu.memory_space<vmem>> -> memref<1x8x128xf32, #tpu.memory_space<vmem>>
        %dma_start3A_40 = tpu.memref_squeeze %dma_start3A_39 : memref<1x8x128xf32, #tpu.memory_space<vmem>> -> memref<8x128xf32, #tpu.memory_space<vmem>>
        %dma_start3A_41 = arith.constant 0 : i32
        %dma_start3A_42 = arith.constant 0 : i32
        %dma_start3A_43 = tpu.memref_slice %arg4[%add3A, %run_scoped3A_27, %scan3A_6, %dma_start3A_41, %dma_start3A_42] : memref<32x8x64x8x128xf32, #tpu.memory_space<hbm>> -> memref<1x1x1x8x128xf32, #tpu.memory_space<hbm>>
        %dma_start3A_44 = tpu.memref_squeeze %dma_start3A_43 : memref<1x1x1x8x128xf32, #tpu.memory_space<hbm>> -> memref<8x128xf32, #tpu.memory_space<hbm>>
        %dma_start3A_45 = arith.constant 0 : i32
        %dma_start3A_46 = arith.constant 0 : i32
        %dma_start3A_47 = tpu.memref_slice %arg4[%add3A, %run_scoped3A_27, %scan3A_6, %dma_start3A_45, %dma_start3A_46] : memref<32x8x64x8x128xf32, #tpu.memory_space<hbm>> -> memref<1x1x1x8x128xf32, #tpu.memory_space<hbm>>
        %dma_start3A_48 = tpu.memref_squeeze %dma_start3A_47 : memref<1x1x1x8x128xf32, #tpu.memory_space<hbm>> -> memref<8x128xf32, #tpu.memory_space<hbm>>
        %dma_start3A_49 = arith.constant 0 : i32
        %dma_start3A_50 = arith.constant 0 : i32
        %dma_start3A_51 = tpu.memref_slice %arg7[%run_scoped3A_26, %dma_start3A_49, %dma_start3A_50] : memref<8x8x128xf32, #tpu.memory_space<vmem>> -> memref<1x8x128xf32, #tpu.memory_space<vmem>>
        %dma_start3A_52 = tpu.memref_squeeze %dma_start3A_51 : memref<1x8x128xf32, #tpu.memory_space<vmem>> -> memref<8x128xf32, #tpu.memory_space<vmem>>
        tpu.enqueue_dma source(%dma_start3A_52 : memref<8x128xf32, #tpu.memory_space<vmem>>) target(%dma_start3A_48 : memref<8x128xf32, #tpu.memory_space<hbm>>) target_semaphore(%run_scoped3A_36 : memref<!tpu.dma_semaphore, #tpu.memory_space<semaphore_mem>>)
        %dma_wait3A_53 = arith.constant 0 : i32
        %dma_wait3A_54 = arith.constant 0 : i32
        %dma_wait3A_55 = tpu.memref_slice %arg7[%run_scoped3A_26, %dma_wait3A_53, %dma_wait3A_54] : memref<8x8x128xf32, #tpu.memory_space<vmem>> -> memref<1x8x128xf32, #tpu.memory_space<vmem>>
        %dma_wait3A_56 = tpu.memref_squeeze %dma_wait3A_55 : memref<1x8x128xf32, #tpu.memory_space<vmem>> -> memref<8x128xf32, #tpu.memory_space<vmem>>
        %dma_wait3A_57 = arith.constant 0 : i32
        %dma_wait3A_58 = arith.constant 0 : i32
        %dma_wait3A_59 = tpu.memref_slice %arg4[%add3A, %run_scoped3A_27, %scan3A_6, %dma_wait3A_57, %dma_wait3A_58] : memref<32x8x64x8x128xf32, #tpu.memory_space<hbm>> -> memref<1x1x1x8x128xf32, #tpu.memory_space<hbm>>
        %dma_wait3A_60 = tpu.memref_squeeze %dma_wait3A_59 : memref<1x1x1x8x128xf32, #tpu.memory_space<hbm>> -> memref<8x128xf32, #tpu.memory_space<hbm>>
        %dma_wait3A_61 = arith.constant 0 : i32
        %dma_wait3A_62 = arith.constant 0 : i32
        %dma_wait3A_63 = tpu.memref_slice %arg4[%add3A, %run_scoped3A_27, %scan3A_6, %dma_wait3A_61, %dma_wait3A_62] : memref<32x8x64x8x128xf32, #tpu.memory_space<hbm>> -> memref<1x1x1x8x128xf32, #tpu.memory_space<hbm>>
        %dma_wait3A_64 = tpu.memref_squeeze %dma_wait3A_63 : memref<1x1x1x8x128xf32, #tpu.memory_space<hbm>> -> memref<8x128xf32, #tpu.memory_space<hbm>>
        %dma_wait3A_65 = arith.constant 0 : i32
        %dma_wait3A_66 = arith.constant 0 : i32
        %dma_wait3A_67 = tpu.memref_slice %arg7[%run_scoped3A_26, %dma_wait3A_65, %dma_wait3A_66] : memref<8x8x128xf32, #tpu.memory_space<vmem>> -> memref<1x8x128xf32, #tpu.memory_space<vmem>>
        %dma_wait3A_68 = tpu.memref_squeeze %dma_wait3A_67 : memref<1x8x128xf32, #tpu.memory_space<vmem>> -> memref<8x128xf32, #tpu.memory_space<vmem>>
        tpu.wait_dma2 semaphore(%run_scoped3A_36 : memref<!tpu.dma_semaphore, #tpu.memory_space<semaphore_mem>>) src(%dma_wait3A_68 : memref<8x128xf32, #tpu.memory_space<vmem>>) dst(%dma_wait3A_64 : memref<8x128xf32, #tpu.memory_space<hbm>>)
        tpu.yield
      }) : () -> ()
      %run_scoped3A_28 = arith.constant 4 : i32
      %run_scoped3A_29 = arith.constant 4 : i32
      "tpu.region"() ({
        %run_scoped3A_36 = tpu.sem_alloc : memref<!tpu.dma_semaphore, #tpu.memory_space<semaphore_mem>>
        %dma_start3A_37 = arith.constant 0 : i32
        %dma_start3A_38 = arith.constant 0 : i32
        %dma_start3A_39 = tpu.memref_slice %arg7[%run_scoped3A_28, %dma_start3A_37, %dma_start3A_38] : memref<8x8x128xf32, #tpu.memory_space<vmem>> -> memref<1x8x128xf32, #tpu.memory_space<vmem>>
        %dma_start3A_40 = tpu.memref_squeeze %dma_start3A_39 : memref<1x8x128xf32, #tpu.memory_space<vmem>> -> memref<8x128xf32, #tpu.memory_space<vmem>>
        %dma_start3A_41 = arith.constant 0 : i32
        %dma_start3A_42 = arith.constant 0 : i32
        %dma_start3A_43 = tpu.memref_slice %arg4[%add3A, %run_scoped3A_29, %scan3A_6, %dma_start3A_41, %dma_start3A_42] : memref<32x8x64x8x128xf32, #tpu.memory_space<hbm>> -> memref<1x1x1x8x128xf32, #tpu.memory_space<hbm>>
        %dma_start3A_44 = tpu.memref_squeeze %dma_start3A_43 : memref<1x1x1x8x128xf32, #tpu.memory_space<hbm>> -> memref<8x128xf32, #tpu.memory_space<hbm>>
        %dma_start3A_45 = arith.constant 0 : i32
        %dma_start3A_46 = arith.constant 0 : i32
        %dma_start3A_47 = tpu.memref_slice %arg4[%add3A, %run_scoped3A_29, %scan3A_6, %dma_start3A_45, %dma_start3A_46] : memref<32x8x64x8x128xf32, #tpu.memory_space<hbm>> -> memref<1x1x1x8x128xf32, #tpu.memory_space<hbm>>
        %dma_start3A_48 = tpu.memref_squeeze %dma_start3A_47 : memref<1x1x1x8x128xf32, #tpu.memory_space<hbm>> -> memref<8x128xf32, #tpu.memory_space<hbm>>
        %dma_start3A_49 = arith.constant 0 : i32
        %dma_start3A_50 = arith.constant 0 : i32
        %dma_start3A_51 = tpu.memref_slice %arg7[%run_scoped3A_28, %dma_start3A_49, %dma_start3A_50] : memref<8x8x128xf32, #tpu.memory_space<vmem>> -> memref<1x8x128xf32, #tpu.memory_space<vmem>>
        %dma_start3A_52 = tpu.memref_squeeze %dma_start3A_51 : memref<1x8x128xf32, #tpu.memory_space<vmem>> -> memref<8x128xf32, #tpu.memory_space<vmem>>
        tpu.enqueue_dma source(%dma_start3A_52 : memref<8x128xf32, #tpu.memory_space<vmem>>) target(%dma_start3A_48 : memref<8x128xf32, #tpu.memory_space<hbm>>) target_semaphore(%run_scoped3A_36 : memref<!tpu.dma_semaphore, #tpu.memory_space<semaphore_mem>>)
        %dma_wait3A_53 = arith.constant 0 : i32
        %dma_wait3A_54 = arith.constant 0 : i32
        %dma_wait3A_55 = tpu.memref_slice %arg7[%run_scoped3A_28, %dma_wait3A_53, %dma_wait3A_54] : memref<8x8x128xf32, #tpu.memory_space<vmem>> -> memref<1x8x128xf32, #tpu.memory_space<vmem>>
        %dma_wait3A_56 = tpu.memref_squeeze %dma_wait3A_55 : memref<1x8x128xf32, #tpu.memory_space<vmem>> -> memref<8x128xf32, #tpu.memory_space<vmem>>
        %dma_wait3A_57 = arith.constant 0 : i32
        %dma_wait3A_58 = arith.constant 0 : i32
        %dma_wait3A_59 = tpu.memref_slice %arg4[%add3A, %run_scoped3A_29, %scan3A_6, %dma_wait3A_57, %dma_wait3A_58] : memref<32x8x64x8x128xf32, #tpu.memory_space<hbm>> -> memref<1x1x1x8x128xf32, #tpu.memory_space<hbm>>
        %dma_wait3A_60 = tpu.memref_squeeze %dma_wait3A_59 : memref<1x1x1x8x128xf32, #tpu.memory_space<hbm>> -> memref<8x128xf32, #tpu.memory_space<hbm>>
        %dma_wait3A_61 = arith.constant 0 : i32
        %dma_wait3A_62 = arith.constant 0 : i32
        %dma_wait3A_63 = tpu.memref_slice %arg4[%add3A, %run_scoped3A_29, %scan3A_6, %dma_wait3A_61, %dma_wait3A_62] : memref<32x8x64x8x128xf32, #tpu.memory_space<hbm>> -> memref<1x1x1x8x128xf32, #tpu.memory_space<hbm>>
        %dma_wait3A_64 = tpu.memref_squeeze %dma_wait3A_63 : memref<1x1x1x8x128xf32, #tpu.memory_space<hbm>> -> memref<8x128xf32, #tpu.memory_space<hbm>>
        %dma_wait3A_65 = arith.constant 0 : i32
        %dma_wait3A_66 = arith.constant 0 : i32
        %dma_wait3A_67 = tpu.memref_slice %arg7[%run_scoped3A_28, %dma_wait3A_65, %dma_wait3A_66] : memref<8x8x128xf32, #tpu.memory_space<vmem>> -> memref<1x8x128xf32, #tpu.memory_space<vmem>>
        %dma_wait3A_68 = tpu.memref_squeeze %dma_wait3A_67 : memref<1x8x128xf32, #tpu.memory_space<vmem>> -> memref<8x128xf32, #tpu.memory_space<vmem>>
        tpu.wait_dma2 semaphore(%run_scoped3A_36 : memref<!tpu.dma_semaphore, #tpu.memory_space<semaphore_mem>>) src(%dma_wait3A_68 : memref<8x128xf32, #tpu.memory_space<vmem>>) dst(%dma_wait3A_64 : memref<8x128xf32, #tpu.memory_space<hbm>>)
        tpu.yield
      }) : () -> ()
      %run_scoped3A_30 = arith.constant 5 : i32
      %run_scoped3A_31 = arith.constant 5 : i32
      "tpu.region"() ({
        %run_scoped3A_36 = tpu.sem_alloc : memref<!tpu.dma_semaphore, #tpu.memory_space<semaphore_mem>>
        %dma_start3A_37 = arith.constant 0 : i32
        %dma_start3A_38 = arith.constant 0 : i32
        %dma_start3A_39 = tpu.memref_slice %arg7[%run_scoped3A_30, %dma_start3A_37, %dma_start3A_38] : memref<8x8x128xf32, #tpu.memory_space<vmem>> -> memref<1x8x128xf32, #tpu.memory_space<vmem>>
        %dma_start3A_40 = tpu.memref_squeeze %dma_start3A_39 : memref<1x8x128xf32, #tpu.memory_space<vmem>> -> memref<8x128xf32, #tpu.memory_space<vmem>>
        %dma_start3A_41 = arith.constant 0 : i32
        %dma_start3A_42 = arith.constant 0 : i32
        %dma_start3A_43 = tpu.memref_slice %arg4[%add3A, %run_scoped3A_31, %scan3A_6, %dma_start3A_41, %dma_start3A_42] : memref<32x8x64x8x128xf32, #tpu.memory_space<hbm>> -> memref<1x1x1x8x128xf32, #tpu.memory_space<hbm>>
        %dma_start3A_44 = tpu.memref_squeeze %dma_start3A_43 : memref<1x1x1x8x128xf32, #tpu.memory_space<hbm>> -> memref<8x128xf32, #tpu.memory_space<hbm>>
        %dma_start3A_45 = arith.constant 0 : i32
        %dma_start3A_46 = arith.constant 0 : i32
        %dma_start3A_47 = tpu.memref_slice %arg4[%add3A, %run_scoped3A_31, %scan3A_6, %dma_start3A_45, %dma_start3A_46] : memref<32x8x64x8x128xf32, #tpu.memory_space<hbm>> -> memref<1x1x1x8x128xf32, #tpu.memory_space<hbm>>
        %dma_start3A_48 = tpu.memref_squeeze %dma_start3A_47 : memref<1x1x1x8x128xf32, #tpu.memory_space<hbm>> -> memref<8x128xf32, #tpu.memory_space<hbm>>
        %dma_start3A_49 = arith.constant 0 : i32
        %dma_start3A_50 = arith.constant 0 : i32
        %dma_start3A_51 = tpu.memref_slice %arg7[%run_scoped3A_30, %dma_start3A_49, %dma_start3A_50] : memref<8x8x128xf32, #tpu.memory_space<vmem>> -> memref<1x8x128xf32, #tpu.memory_space<vmem>>
        %dma_start3A_52 = tpu.memref_squeeze %dma_start3A_51 : memref<1x8x128xf32, #tpu.memory_space<vmem>> -> memref<8x128xf32, #tpu.memory_space<vmem>>
        tpu.enqueue_dma source(%dma_start3A_52 : memref<8x128xf32, #tpu.memory_space<vmem>>) target(%dma_start3A_48 : memref<8x128xf32, #tpu.memory_space<hbm>>) target_semaphore(%run_scoped3A_36 : memref<!tpu.dma_semaphore, #tpu.memory_space<semaphore_mem>>)
        %dma_wait3A_53 = arith.constant 0 : i32
        %dma_wait3A_54 = arith.constant 0 : i32
        %dma_wait3A_55 = tpu.memref_slice %arg7[%run_scoped3A_30, %dma_wait3A_53, %dma_wait3A_54] : memref<8x8x128xf32, #tpu.memory_space<vmem>> -> memref<1x8x128xf32, #tpu.memory_space<vmem>>
        %dma_wait3A_56 = tpu.memref_squeeze %dma_wait3A_55 : memref<1x8x128xf32, #tpu.memory_space<vmem>> -> memref<8x128xf32, #tpu.memory_space<vmem>>
        %dma_wait3A_57 = arith.constant 0 : i32
        %dma_wait3A_58 = arith.constant 0 : i32
        %dma_wait3A_59 = tpu.memref_slice %arg4[%add3A, %run_scoped3A_31, %scan3A_6, %dma_wait3A_57, %dma_wait3A_58] : memref<32x8x64x8x128xf32, #tpu.memory_space<hbm>> -> memref<1x1x1x8x128xf32, #tpu.memory_space<hbm>>
        %dma_wait3A_60 = tpu.memref_squeeze %dma_wait3A_59 : memref<1x1x1x8x128xf32, #tpu.memory_space<hbm>> -> memref<8x128xf32, #tpu.memory_space<hbm>>
        %dma_wait3A_61 = arith.constant 0 : i32
        %dma_wait3A_62 = arith.constant 0 : i32
        %dma_wait3A_63 = tpu.memref_slice %arg4[%add3A, %run_scoped3A_31, %scan3A_6, %dma_wait3A_61, %dma_wait3A_62] : memref<32x8x64x8x128xf32, #tpu.memory_space<hbm>> -> memref<1x1x1x8x128xf32, #tpu.memory_space<hbm>>
        %dma_wait3A_64 = tpu.memref_squeeze %dma_wait3A_63 : memref<1x1x1x8x128xf32, #tpu.memory_space<hbm>> -> memref<8x128xf32, #tpu.memory_space<hbm>>
        %dma_wait3A_65 = arith.constant 0 : i32
        %dma_wait3A_66 = arith.constant 0 : i32
        %dma_wait3A_67 = tpu.memref_slice %arg7[%run_scoped3A_30, %dma_wait3A_65, %dma_wait3A_66] : memref<8x8x128xf32, #tpu.memory_space<vmem>> -> memref<1x8x128xf32, #tpu.memory_space<vmem>>
        %dma_wait3A_68 = tpu.memref_squeeze %dma_wait3A_67 : memref<1x8x128xf32, #tpu.memory_space<vmem>> -> memref<8x128xf32, #tpu.memory_space<vmem>>
        tpu.wait_dma2 semaphore(%run_scoped3A_36 : memref<!tpu.dma_semaphore, #tpu.memory_space<semaphore_mem>>) src(%dma_wait3A_68 : memref<8x128xf32, #tpu.memory_space<vmem>>) dst(%dma_wait3A_64 : memref<8x128xf32, #tpu.memory_space<hbm>>)
        tpu.yield
      }) : () -> ()
      %run_scoped3A_32 = arith.constant 6 : i32
      %run_scoped3A_33 = arith.constant 6 : i32
      "tpu.region"() ({
        %run_scoped3A_36 = tpu.sem_alloc : memref<!tpu.dma_semaphore, #tpu.memory_space<semaphore_mem>>
        %dma_start3A_37 = arith.constant 0 : i32
        %dma_start3A_38 = arith.constant 0 : i32
        %dma_start3A_39 = tpu.memref_slice %arg7[%run_scoped3A_32, %dma_start3A_37, %dma_start3A_38] : memref<8x8x128xf32, #tpu.memory_space<vmem>> -> memref<1x8x128xf32, #tpu.memory_space<vmem>>
        %dma_start3A_40 = tpu.memref_squeeze %dma_start3A_39 : memref<1x8x128xf32, #tpu.memory_space<vmem>> -> memref<8x128xf32, #tpu.memory_space<vmem>>
        %dma_start3A_41 = arith.constant 0 : i32
        %dma_start3A_42 = arith.constant 0 : i32
        %dma_start3A_43 = tpu.memref_slice %arg4[%add3A, %run_scoped3A_33, %scan3A_6, %dma_start3A_41, %dma_start3A_42] : memref<32x8x64x8x128xf32, #tpu.memory_space<hbm>> -> memref<1x1x1x8x128xf32, #tpu.memory_space<hbm>>
        %dma_start3A_44 = tpu.memref_squeeze %dma_start3A_43 : memref<1x1x1x8x128xf32, #tpu.memory_space<hbm>> -> memref<8x128xf32, #tpu.memory_space<hbm>>
        %dma_start3A_45 = arith.constant 0 : i32
        %dma_start3A_46 = arith.constant 0 : i32
        %dma_start3A_47 = tpu.memref_slice %arg4[%add3A, %run_scoped3A_33, %scan3A_6, %dma_start3A_45, %dma_start3A_46] : memref<32x8x64x8x128xf32, #tpu.memory_space<hbm>> -> memref<1x1x1x8x128xf32, #tpu.memory_space<hbm>>
        %dma_start3A_48 = tpu.memref_squeeze %dma_start3A_47 : memref<1x1x1x8x128xf32, #tpu.memory_space<hbm>> -> memref<8x128xf32, #tpu.memory_space<hbm>>
        %dma_start3A_49 = arith.constant 0 : i32
        %dma_start3A_50 = arith.constant 0 : i32
        %dma_start3A_51 = tpu.memref_slice %arg7[%run_scoped3A_32, %dma_start3A_49, %dma_start3A_50] : memref<8x8x128xf32, #tpu.memory_space<vmem>> -> memref<1x8x128xf32, #tpu.memory_space<vmem>>
        %dma_start3A_52 = tpu.memref_squeeze %dma_start3A_51 : memref<1x8x128xf32, #tpu.memory_space<vmem>> -> memref<8x128xf32, #tpu.memory_space<vmem>>
        tpu.enqueue_dma source(%dma_start3A_52 : memref<8x128xf32, #tpu.memory_space<vmem>>) target(%dma_start3A_48 : memref<8x128xf32, #tpu.memory_space<hbm>>) target_semaphore(%run_scoped3A_36 : memref<!tpu.dma_semaphore, #tpu.memory_space<semaphore_mem>>)
        %dma_wait3A_53 = arith.constant 0 : i32
        %dma_wait3A_54 = arith.constant 0 : i32
        %dma_wait3A_55 = tpu.memref_slice %arg7[%run_scoped3A_32, %dma_wait3A_53, %dma_wait3A_54] : memref<8x8x128xf32, #tpu.memory_space<vmem>> -> memref<1x8x128xf32, #tpu.memory_space<vmem>>
        %dma_wait3A_56 = tpu.memref_squeeze %dma_wait3A_55 : memref<1x8x128xf32, #tpu.memory_space<vmem>> -> memref<8x128xf32, #tpu.memory_space<vmem>>
        %dma_wait3A_57 = arith.constant 0 : i32
        %dma_wait3A_58 = arith.constant 0 : i32
        %dma_wait3A_59 = tpu.memref_slice %arg4[%add3A, %run_scoped3A_33, %scan3A_6, %dma_wait3A_57, %dma_wait3A_58] : memref<32x8x64x8x128xf32, #tpu.memory_space<hbm>> -> memref<1x1x1x8x128xf32, #tpu.memory_space<hbm>>
        %dma_wait3A_60 = tpu.memref_squeeze %dma_wait3A_59 : memref<1x1x1x8x128xf32, #tpu.memory_space<hbm>> -> memref<8x128xf32, #tpu.memory_space<hbm>>
        %dma_wait3A_61 = arith.constant 0 : i32
        %dma_wait3A_62 = arith.constant 0 : i32
        %dma_wait3A_63 = tpu.memref_slice %arg4[%add3A, %run_scoped3A_33, %scan3A_6, %dma_wait3A_61, %dma_wait3A_62] : memref<32x8x64x8x128xf32, #tpu.memory_space<hbm>> -> memref<1x1x1x8x128xf32, #tpu.memory_space<hbm>>
        %dma_wait3A_64 = tpu.memref_squeeze %dma_wait3A_63 : memref<1x1x1x8x128xf32, #tpu.memory_space<hbm>> -> memref<8x128xf32, #tpu.memory_space<hbm>>
        %dma_wait3A_65 = arith.constant 0 : i32
        %dma_wait3A_66 = arith.constant 0 : i32
        %dma_wait3A_67 = tpu.memref_slice %arg7[%run_scoped3A_32, %dma_wait3A_65, %dma_wait3A_66] : memref<8x8x128xf32, #tpu.memory_space<vmem>> -> memref<1x8x128xf32, #tpu.memory_space<vmem>>
        %dma_wait3A_68 = tpu.memref_squeeze %dma_wait3A_67 : memref<1x8x128xf32, #tpu.memory_space<vmem>> -> memref<8x128xf32, #tpu.memory_space<vmem>>
        tpu.wait_dma2 semaphore(%run_scoped3A_36 : memref<!tpu.dma_semaphore, #tpu.memory_space<semaphore_mem>>) src(%dma_wait3A_68 : memref<8x128xf32, #tpu.memory_space<vmem>>) dst(%dma_wait3A_64 : memref<8x128xf32, #tpu.memory_space<hbm>>)
        tpu.yield
      }) : () -> ()
      %run_scoped3A_34 = arith.constant 7 : i32
      %run_scoped3A_35 = arith.constant 7 : i32
      "tpu.region"() ({
        %run_scoped3A_36 = tpu.sem_alloc : memref<!tpu.dma_semaphore, #tpu.memory_space<semaphore_mem>>
        %dma_start3A_37 = arith.constant 0 : i32
        %dma_start3A_38 = arith.constant 0 : i32
        %dma_start3A_39 = tpu.memref_slice %arg7[%run_scoped3A_34, %dma_start3A_37, %dma_start3A_38] : memref<8x8x128xf32, #tpu.memory_space<vmem>> -> memref<1x8x128xf32, #tpu.memory_space<vmem>>
        %dma_start3A_40 = tpu.memref_squeeze %dma_start3A_39 : memref<1x8x128xf32, #tpu.memory_space<vmem>> -> memref<8x128xf32, #tpu.memory_space<vmem>>
        %dma_start3A_41 = arith.constant 0 : i32
        %dma_start3A_42 = arith.constant 0 : i32
        %dma_start3A_43 = tpu.memref_slice %arg4[%add3A, %run_scoped3A_35, %scan3A_6, %dma_start3A_41, %dma_start3A_42] : memref<32x8x64x8x128xf32, #tpu.memory_space<hbm>> -> memref<1x1x1x8x128xf32, #tpu.memory_space<hbm>>
        %dma_start3A_44 = tpu.memref_squeeze %dma_start3A_43 : memref<1x1x1x8x128xf32, #tpu.memory_space<hbm>> -> memref<8x128xf32, #tpu.memory_space<hbm>>
        %dma_start3A_45 = arith.constant 0 : i32
        %dma_start3A_46 = arith.constant 0 : i32
        %dma_start3A_47 = tpu.memref_slice %arg4[%add3A, %run_scoped3A_35, %scan3A_6, %dma_start3A_45, %dma_start3A_46] : memref<32x8x64x8x128xf32, #tpu.memory_space<hbm>> -> memref<1x1x1x8x128xf32, #tpu.memory_space<hbm>>
        %dma_start3A_48 = tpu.memref_squeeze %dma_start3A_47 : memref<1x1x1x8x128xf32, #tpu.memory_space<hbm>> -> memref<8x128xf32, #tpu.memory_space<hbm>>
        %dma_start3A_49 = arith.constant 0 : i32
        %dma_start3A_50 = arith.constant 0 : i32
        %dma_start3A_51 = tpu.memref_slice %arg7[%run_scoped3A_34, %dma_start3A_49, %dma_start3A_50] : memref<8x8x128xf32, #tpu.memory_space<vmem>> -> memref<1x8x128xf32, #tpu.memory_space<vmem>>
        %dma_start3A_52 = tpu.memref_squeeze %dma_start3A_51 : memref<1x8x128xf32, #tpu.memory_space<vmem>> -> memref<8x128xf32, #tpu.memory_space<vmem>>
        tpu.enqueue_dma source(%dma_start3A_52 : memref<8x128xf32, #tpu.memory_space<vmem>>) target(%dma_start3A_48 : memref<8x128xf32, #tpu.memory_space<hbm>>) target_semaphore(%run_scoped3A_36 : memref<!tpu.dma_semaphore, #tpu.memory_space<semaphore_mem>>)
        %dma_wait3A_53 = arith.constant 0 : i32
        %dma_wait3A_54 = arith.constant 0 : i32
        %dma_wait3A_55 = tpu.memref_slice %arg7[%run_scoped3A_34, %dma_wait3A_53, %dma_wait3A_54] : memref<8x8x128xf32, #tpu.memory_space<vmem>> -> memref<1x8x128xf32, #tpu.memory_space<vmem>>
        %dma_wait3A_56 = tpu.memref_squeeze %dma_wait3A_55 : memref<1x8x128xf32, #tpu.memory_space<vmem>> -> memref<8x128xf32, #tpu.memory_space<vmem>>
        %dma_wait3A_57 = arith.constant 0 : i32
        %dma_wait3A_58 = arith.constant 0 : i32
        %dma_wait3A_59 = tpu.memref_slice %arg4[%add3A, %run_scoped3A_35, %scan3A_6, %dma_wait3A_57, %dma_wait3A_58] : memref<32x8x64x8x128xf32, #tpu.memory_space<hbm>> -> memref<1x1x1x8x128xf32, #tpu.memory_space<hbm>>
        %dma_wait3A_60 = tpu.memref_squeeze %dma_wait3A_59 : memref<1x1x1x8x128xf32, #tpu.memory_space<hbm>> -> memref<8x128xf32, #tpu.memory_space<hbm>>
        %dma_wait3A_61 = arith.constant 0 : i32
        %dma_wait3A_62 = arith.constant 0 : i32
        %dma_wait3A_63 = tpu.memref_slice %arg4[%add3A, %run_scoped3A_35, %scan3A_6, %dma_wait3A_61, %dma_wait3A_62] : memref<32x8x64x8x128xf32, #tpu.memory_space<hbm>> -> memref<1x1x1x8x128xf32, #tpu.memory_space<hbm>>
        %dma_wait3A_64 = tpu.memref_squeeze %dma_wait3A_63 : memref<1x1x1x8x128xf32, #tpu.memory_space<hbm>> -> memref<8x128xf32, #tpu.memory_space<hbm>>
        %dma_wait3A_65 = arith.constant 0 : i32
        %dma_wait3A_66 = arith.constant 0 : i32
        %dma_wait3A_67 = tpu.memref_slice %arg7[%run_scoped3A_34, %dma_wait3A_65, %dma_wait3A_66] : memref<8x8x128xf32, #tpu.memory_space<vmem>> -> memref<1x8x128xf32, #tpu.memory_space<vmem>>
        %dma_wait3A_68 = tpu.memref_squeeze %dma_wait3A_67 : memref<1x8x128xf32, #tpu.memory_space<vmem>> -> memref<8x128xf32, #tpu.memory_space<vmem>>
        tpu.wait_dma2 semaphore(%run_scoped3A_36 : memref<!tpu.dma_semaphore, #tpu.memory_space<semaphore_mem>>) src(%dma_wait3A_68 : memref<8x128xf32, #tpu.memory_space<vmem>>) dst(%dma_wait3A_64 : memref<8x128xf32, #tpu.memory_space<hbm>>)
        tpu.yield
      }) : () -> ()
    }
    %scan3A_5 = arith.constant 64 : i32
    return
  }
}

</mosaic_0001>

<sc_bundles>
// kernel: kernel.3.cloned.1.call-start
scs
__scs_entry_jumppad:
0x0: {  	(pc) =	sbr.rel $0x88, $3  }
0x1: {  	(tag) =	ssettag $0x0;
	lr =	simm.s32 $0x1  }
0x2: {  	[smem:$0x3F9F] =	sst lr;
	_ =	strace $0xD0000000  }
0x3: {  	_ = 	snop  }
0x4: {  	_ = 	snop  }
0x5: {  	_ = 	snop  }
0x6: {  	_ = 	snop  }
0x7: {  	_ = 	snop  }
__scs_overlays_trampoline_lowered:
0x8: {  	[smem:$0x3FAE] =	sst s0  }
0x9: {  	[smem:$0x3FAF] =	sst s1  }
0xa: {  	[smem:$0x3FB0] =	sst s2  }
0xb: {  	[smem:$0x3FB1] =	sst s3  }
0xc: {  	[smem:$0x3FB2] =	sst s4  }
0xd: {  	[smem:$0x3FB3] =	sst s5  }
0xe: {  	[smem:$0x3FB4] =	sst s6  }
0xf: {  	[smem:$0x3FB5] =	sst s7  }
0x10: {  	[smem:$0x3FB6] =	sst s8  }
0x11: {  	[smem:$0x3FB7] =	sst s9;
	s0 =	simm.s32 @!p0 $0x0  }
0x12: {  	s1 =	sld [smem:$0x3F9D];
	s0 =	simm.s32 @p0 $0x1  }
0x13: {  	[smem:$0x3FB8] =	sst s0;
	s0 =	simm.s32 @!p1 $0x0  }
0x14: {  	s2 =	sld [smem:$0x3F9C];
	s0 =	simm.s32 @p1 $0x1  }
0x15: {  	[smem:$0x3FB9] =	sst s0;
	s0 =	simm.s32 @!p2 $0x0  }
0x16: {  	s3 =	sld [smem:$0x3FDB];
	s0 =	simm.s32 @p2 $0x1  }
0x17: {  	s4 =	simm.s32 $0x1BF5;
	[smem:$0x3FBB] =	sst s0  }
0x18: {  	s0 =	sld [smem:$0x3F9E];
	_ =	swait.ge [sflag:s4], $0x0  }
0x19: {  	s7 =	sld [smem:$0x3F9F]  }
0x1a: {  	s8 =	sadd.s32 $0xFFFFE003, lr  }
0x1b: {  	s9 =	sadd.s32 $0xFFFFFEF7, lr;
	s5 =	simm.s32 $0xFFFFFFFF;
	p2 =	slt.u32 s8, $0xFFFFF086  }
0x1c: {  	p1 =	slt.u32 s9, $0xF7A;
	s5 =	simm.s32 @!p2 $0x0  }
0x1d: {  	s5 =	simm.s32 @p1 $0x1;
	p0 =	seq.s32 s7, s2  }
0x1e: {  	s7 =	smul.u32 @!p0 $0xF7A, s2;
	p2 =	seq.s32 @!p0 s5, $0x0  }
0x1f: {  	s9 =	smul.u32 $0xF7A, s1;
	s8 =	simm.s32 @!p0 $0x1BF5;
	p2 =	por !p2, p0  }
0x20: {  	[sflag:s8] =	ssyncset.s32 @!p0 $0xFFFFF086;
	s6 =	sadd.s32 @!p0 s3, s7;
	s7 =	simm.s32 @!p0 $0x108  }
0x21: {  	s3 =	sadd.s32 s3, s9;
	s6 =	sadd.s32 @!p0 $0x88, s6;
	s7 =	simm.s32 @p2 $0x1082  }
0x22: {  	[simem:s7], [sflag:s8] =	dma.local @!p0 [hbm:s6], $0xF7A  }
0x23: {  	s9 =	sor.u32 $0xD0000000, s2;
	s6 =	simm.s32 $0x108;
	_ =	swait.ge @!p0 [sflag:s8], $0x0  }
0x24: {  	s3 =	sadd.s32 $0x88, s3;
	s6 =	simm.s32 @!p1 $0x1082;
	[sflag:s4] =	ssyncset.s32 $0xFFFFF086  }
0x25: {  	[simem:s6], [sflag:s4] =	dma.local [hbm:s3], $0xF7A  }
0x26: {  	[smem:$0x3F9F] =	sst s1;
	(tag) =	ssettag s2;
	_ =	strace s9  }
0x27: {  	s1 =	sld [smem:$0x3FAF]  }
0x28: {  	s2 =	sld [smem:$0x3FB0]  }
0x29: {  	s4 =	sld [smem:$0x3FB2]  }
0x2a: {  	p0 =	seq.s32 s5, $0x0;
	s5 =	sld [smem:$0x3FB3]  }
0x2b: {  	s6 =	sld [smem:$0x3FB4]  }
0x2c: {  	s7 =	sld [smem:$0x3FB5]  }
0x2d: {  	s3 =	simm.s32 $0x108;
	s8 =	sld [smem:$0x3FB6]  }
0x2e: {  	s3 =	simm.s32 @!p0 $0x1082;
	s9 =	sld [smem:$0x3FB7]  }
0x2f: {  	lr =	sadd.s32 s0, s3;
	s0 =	sld [smem:$0x3FAE]  }
0x30: {  	s3 =	sld [smem:$0x3FB1]  }
0x31: {  	[smem:$0x3FBA] =	sst s10  }
0x32: {  	s10 =	sld [smem:$0x3FB8];
	_ =	sdelay $0x3  }
0x33: {  	p0 =	seq.s32 s10, $0x1;
	s10 =	sld [smem:$0x3FBA];
	_ =	sdelay $0x3  }
0x34: {  	[smem:$0x3FBA] =	sst s10  }
0x35: {  	s10 =	sld [smem:$0x3FB9];
	_ =	sdelay $0x3  }
0x36: {  	p1 =	seq.s32 s10, $0x1;
	s10 =	sld [smem:$0x3FBA];
	_ =	sdelay $0x3  }
0x37: {  	[smem:$0x3FBA] =	sst s10  }
0x38: {  	s10 =	sld [smem:$0x3FBB]  }
0x39: {  	_ = 	snop;
	(pc) =	sbr.ind lr, $3  }
0x3a: {  	_ = 	snop  }
0x3b: {  	_ = 	snop  }
0x3c: {  	p2 =	seq.s32 s10, $0x1;
	s10 =	sld [smem:$0x3FBA]  }
0x3d: {  	_ =	shalt  }
0x3e: {  	_ =	shalt  }
0x3f: {  	_ =	shalt  }
0x40: {  	_ =	shalt  }
0x41: {  	_ =	shalt  }
0x42: {  	_ =	shalt  }
0x43: {  	_ =	shalt  }
0x44: {  	_ =	shalt  }
0x45: {  	_ =	shalt  }
0x46: {  	_ =	shalt  }
0x47: {  	_ =	shalt  }
0x48: {  	_ =	shalt  }
0x49: {  	_ =	shalt  }
0x4a: {  	_ =	shalt  }
0x4b: {  	_ =	shalt  }
0x4c: {  	_ =	shalt  }
0x4d: {  	_ =	shalt  }
0x4e: {  	_ =	shalt  }
0x4f: {  	_ =	shalt  }
0x50: {  	_ =	shalt  }
0x51: {  	_ =	shalt  }
0x52: {  	_ =	shalt  }
0x53: {  	_ =	shalt  }
0x54: {  	_ =	shalt  }
0x55: {  	_ =	shalt  }
0x56: {  	_ =	shalt  }
0x57: {  	_ =	shalt  }
0x58: {  	_ =	shalt  }
0x59: {  	_ =	shalt  }
0x5a: {  	_ =	shalt  }
0x5b: {  	_ =	shalt  }
0x5c: {  	_ =	shalt  }
0x5d: {  	_ =	shalt  }
0x5e: {  	_ =	shalt  }
0x5f: {  	_ =	shalt  }
0x60: {  	_ =	shalt  }
0x61: {  	_ =	shalt  }
0x62: {  	_ =	shalt  }
0x63: {  	_ =	shalt  }
0x64: {  	_ =	shalt  }
0x65: {  	_ =	shalt  }
0x66: {  	_ =	shalt  }
0x67: {  	_ =	shalt  }
0x68: {  	_ =	shalt  }
0x69: {  	_ =	shalt  }
0x6a: {  	_ =	shalt  }
0x6b: {  	_ =	shalt  }
0x6c: {  	_ =	shalt  }
0x6d: {  	_ =	shalt  }
0x6e: {  	_ =	shalt  }
0x6f: {  	_ =	shalt  }
0x70: {  	_ =	shalt  }
0x71: {  	_ =	shalt  }
0x72: {  	_ =	shalt  }
0x73: {  	_ =	shalt  }
0x74: {  	_ =	shalt  }
0x75: {  	_ =	shalt  }
0x76: {  	_ =	shalt  }
0x77: {  	_ =	shalt  }
0x78: {  	_ =	shalt  }
0x79: {  	_ =	shalt  }
0x7a: {  	_ =	shalt  }
0x7b: {  	_ =	shalt  }
0x7c: {  	_ =	shalt  }
0x7d: {  	_ =	shalt  }
0x7e: {  	_ =	shalt  }
0x7f: {  	_ =	shalt  }
0x80: {  	_ =	shalt  }
0x81: {  	_ =	shalt  }
0x82: {  	_ =	shalt  }
0x83: {  	_ =	shalt  }
0x84: {  	_ =	shalt  }
0x85: {  	_ =	shalt  }
0x86: {  	_ =	shalt  }
0x87: {  	_ =	shalt  }
.Lfunc_end0:
.L_simem_size_0:
called_computation_lowered:
.L_overlay_start_0:
0x88: {  	s2 =	sld [smem:$0x3FD9]  }
0x89: {  	s3 =	sld [smem:$0x3FFE];
	_ =	sdelay $0x1  }
0x8a: {  	s1 =	srdreg.scid  }
0x8b: {  	s0 =	sand.u32 $0x1, s1  }
0x8c: {  	s17 =	sshll.u32 s0, $0xA;
	s2 =	sadd.s32 s3, s2  }
0x8d: {  	s2 =	sadd.s32 s2, s17  }
0x8e: {  	[smem:$0x3FC6] =	sst s2  }
0x8f: {  	_ = 	snop  }
0x90: {  	s2 =	sld [smem:$0x3FD0];
	(tm) =	ssettm $0x1  }
0x91: {  	s18 =	sld [smem:$0x3FFB];
	_ =	sdelay $0x3  }
0x92: {  	_ =	strace s18  }
0x93: {  	s3 =	sld [smem:$0x3FFC];
	_ =	sdelay $0x3  }
0x94: {  	_ =	strace s3  }
0x95: {  	s3 =	sld [smem:$0x3FFD];
	_ =	sdelay $0x3  }
0x96: {  	_ =	strace s3  }
0x97: {  	_ =	strace $0x8FFFFFFF  }
0x98: {  	s19 =	sld [smem:$0x3FDB];
	_ =	sdelay $0x1  }
0x99: {  	s4 =	simm.s32 $_scs_section_size  }
0x9a: {  	s5 =	simm.s32 $_size__tile_overlayer_lowered;
	s6 =	simm.s32 $_tile_overlayer_lowered  }
0x9b: {  	s22 =	simm.s32 $0x1BFF;
	s21 =	sshll.u32 s6, $0x1;
	s3 =	sadd.s32 s4, s19  }
0x9c: {  	s7 =	simm.s32 $0x0;
	s20 =	sshll.u32 s5, $0x1;
	s5 =	sadd.s32 s21, s3  }
0x9d: {  	[timem:s7], [sflag:s22] =	dma.local [hbm:s5], s20  }
0x9e: {  	_ =	swait.ge [sflag:s22], s20  }
0x9f: {  	s4 =	ssub.s32 $0x0, s20;
	[sflag:s22] =	ssyncset.done $0x0  }
0xa0: {  	[sflag:s22] =	ssyncadd.s32 s4;
	_ =	sdelay $0x1  }
0xa1: {  	s23 =	simm.s32 $0x1B8B  }
0xa2: {  	_ =	swait.ge [sflag:s23], $0x1  }
0xa3: {  	[sflag:s23] =	ssyncset.done $0x0  }
0xa4: {  	s25 =	simm.s32 $0x1B8E;
	s24 =	sld [smem:$0x3FFE];
	[sflag:s23] =	ssyncadd.s32 $0xFFFFFFFF  }
0xa5: {  	s26 =	simm.s32 $execute0_lowered;
	[smem:$0x3FD2] =	sst s25  }
0xa6: {  	s5 =	sshll.u32 s26, $0x1;
	_ =	strace $0x80000046;
	[dreg:$0x1] =	wrdreg $0xFFFFFFFF  }
0xa7: {  	s28 =	simm.s32 $_size_execute0_lowered;
	s3 =	sadd.s32 s3, s5;
	[dreg:$0x0] =	wrdreg $0x0  }
0xa8: {  	s5 =	sshll.u32 s28, $0x1;
	[dreg:$0x2] =	wrdreg s3  }
0xa9: {  	[dreg:$0x3] =	wrdreg s5  }
0xaa: {  	[dreg:$0x4] =	wrdreg $0xC0  }
0xab: {  	_ =	task [dreg:s7], $0x5FFFF  }
0xac: {  	[dreg:$0x1] =	wrdreg $0xFFFFFFFF  }
0xad: {  	[dreg:$0x0] =	wrdreg $0x60  }
0xae: {  	[dreg:$0x2] =	wrdreg s24  }
0xaf: {  	[dreg:$0x3] =	wrdreg s2  }
0xb0: {  	[dreg:$0x4] =	wrdreg $0x9  }
0xb1: {  	_ =	task.clear_ibuf [dreg:s7], $0x5FFFF;
	_ =	strace $0x90000046  }
0xb2: {  	s29 =	simm.s32 $0x9;
	_ =	strace $0x80000048  }
0xb3: {  	_ =	swait.ge [sflag:s29], $0x1  }
0xb4: {  	[sflag:s29] =	ssyncadd.s32 $0xFFFFFFFF  }
0xb5: {  	_ =	strace $0x90000048  }
0xb6: {  	_ =	sfence  }
0xb7: {  	s30 =	sld [smem:$0x0];
	_ =	sdelay $0x2  }
0xb8: {  	s31 =	sshll.u32 s1, $0xD;
	s1 =	sshrl.u32 s1, $0x2  }
0xb9: {  	s3 =	sand.u32 $0x4000, s31;
	s1 =	sadd.s32 s1, s30  }
0xba: {  	s0 =	sor.u32 s3, s0;
	s1 =	sshll.u32 s1, $0x11  }
0xbb: {  	s0 =	sor.u32 s1, s0  }
0xbc: {  	s0 =	sadd.s32 $0x8F2B, s0  }
0xbd: {  	[sflag:s0] =	ssyncadd.remote.s32 $0x1  }
0xbe: {  	_ =	sfence.sel $0xFFFF  }
0xbf: {  	[dreg:$0x0] =	wrdreg $0xFFFFFFFF;
	(pc) =	sbr.abs _section_cstart, $3  }
0xc0: {  	[dreg:$0x1] =	wrdreg $0xFFFFFFFF  }
0xc1: {  	_ =	task.clear_ibuf [dreg:s7], $0x2FFFF;
	_ =	strace $0x9FFFFFFF  }
0xc2: {  	(tm) =	ssettm $0x7FFFFFFF  }
0xc3: {  	_ =	shalt  }
tec
execute0_lowered:
.L_overlay_start_1:
0x0: {  	(tag) =	ssettag $0x1  }
0x1: {  	s0 =	rddreg [dreg:$0x0]  }
0x2: {  	s2 =	rddreg [dreg:$0x1];
	s4 =	srdreg.scid  }
0x3: {  	s1 =	stileid.u32;
	s3 =	simm.s32 $0x0;
	s15 =	simm.s32 $0x2  }
0x4: {  	s16 =	simm.s32 $0x80;
	s17 =	simm.s32 $0x2000;
	s18 =	simm.s32 $0x1  }
0x5: {  	s19 =	simm.s32 $0x4000;
	s20 =	simm.s32 $0x4400;
	s21 =	simm.s32 $0x4800  }
0x6: {  	s22 =	simm.s32 $0x4C00;
	s23 =	simm.s32 $0x5000;
	s24 =	simm.s32 $0x5400  }
0x7: {  	s25 =	simm.s32 $0x5800;
	s26 =	simm.s32 $0x5C00;
	s28 =	simm.s32 $0x0  }
0x8: {  	s4 =	sand.u32 $0x1, s4;
	s5 =	sshll.u32 s1, $0x1;
	[smem:$0x7FF] =	sst s3  }
0x9: {  	v0 =	vlaneseq.u32;
	s8 =	sadd.s32 $0x4000, s2;
	s9 =	sadd.s32 $0x6000, s2;
	s10 =	sadd.s32 $0x8000, s2  }
0xa: {  	s11 =	sadd.s32 $0xA000, s2;
	s12 =	sadd.s32 $0xC000, s2;
	s13 =	sadd.s32 $0xE000, s2;
	v0 =	vmul.u32 $0x40, v0  }
0xb: {  	s6 =	sor.u32 s4, s5;
	_ =	strace $0x80000047;
	s7 =	ssub.s32 $0x2, s4  }
0xc: {  	s4 =	sadd.s32 $0x8400, s0;
	s5 =	sshll.u32 s6, $0xA;
	s31 =	sshrl.u32 s7, $0x1;
	v1 =	vor.u32 $0x400, v0  }
0xd: {  	s6 =	sshll.u32 s6, $0x10;
	v2 =	vor.u32 $0x800, v0;
	v3 =	vor.u32 $0xC00, v0;
	v4 =	vor.u32 $0x1000, v0;
	s5 =	sadd.s32 s5, s0;
	s0 =	ssub.s32 s7, s31  }
0xe: {  	v5 =	vor.u32 $0x1400, v0;
	v6 =	vor.u32 $0x1800, v0;
	v7 =	vor.u32 $0x1C00, v0;
	s7 =	sadd.s32 $0x2000, s2;
	s5 =	sadd.s32 $0x400, s5;
	s14 =	smax.u32 s0, $0x1  }
.LBB2_1:
0xf: {  	[tilespmem:s3], [sflag:$0x2] =	stream.linear.gather [hbm4b:s5+s3], $0x2000, $0x38;
	[tilespmem:$0x6000] =	vst v63  }
0x10: {  	_ =	swait.ge [sflag:s15], $0x2000  }
0x11: {  	[sflag:s15] =	ssyncset.done $0x0  }
0x12: {  	s29 =	simm.s32 $0x0;
	[sflag:s15] =	ssyncadd.s32 $0xFFFFE000  }
.LBB2_2:
0x13: {  	s0 =	simm.s32 $0x0  }
0x14: {  	v8 =	vmov s0  }
0x15: {  	v8 =	vand.u32 $0x3F, v8  }
0x16: {  	v8 =	vbroadcast v8, $0x0  }
0x17: {  	s30 =	sshll.u32 s29, $0x7  }
0x18: {  	s0 =	sand.u32 $0x3FFFFF80, s30;
	v9 =	vor.u32 v0, v8  }
0x19: {  	[tilespmem:s17], [sflag:$0x1] =	stream.indirect.gather [hbm4b:s4+s16], $0x40, s0, s16, $0xb8;
	[tilespmem:$0x6000] =	vst v63  }
0x1a: {  	_ =	swait.ge [sflag:s18], $0x2000  }
0x1b: {  	[sflag:s18] =	ssyncset.done $0x0  }
0x1c: {  	[sflag:s18] =	ssyncadd.s32 $0xFFFFE000  }
0x1d: {  	v9 =	vld.idx.msk [tilespmem:v9+s17+$0x0], $0xffff  }
0x1e: {  	v10 =	vor.u32 v1, v8;
	_ =	sdelay $0x2  }
0x1f: {  	s31 =	simm.s32 $0x4040  }
0x20: {  	[tilespmem:s31+$0xFFFFFFC0] =	vst v9  }
0x21: {  	v9 =	vld.idx.msk [tilespmem:v10+s17+$0x0], $0xffff  }
0x22: {  	v10 =	vor.u32 v2, v8;
	_ =	sdelay $0x3  }
0x23: {  	[tilespmem:s31+$0xFFFFFFD0] =	vst v9  }
0x24: {  	v9 =	vld.idx.msk [tilespmem:v10+s17+$0x0], $0xffff  }
0x25: {  	v10 =	vor.u32 v3, v8;
	_ =	sdelay $0x3  }
0x26: {  	[tilespmem:s31+$0xFFFFFFE0] =	vst v9  }
0x27: {  	v9 =	vld.idx.msk [tilespmem:v10+s17+$0x0], $0xffff  }
0x28: {  	v10 =	vor.u32 v4, v8;
	_ =	sdelay $0x3  }
0x29: {  	[tilespmem:s31+$0xFFFFFFF0] =	vst v9  }
0x2a: {  	v9 =	vld.idx.msk [tilespmem:v10+s17+$0x0], $0xffff  }
0x2b: {  	v10 =	vor.u32 v5, v8;
	_ =	sdelay $0x3  }
0x2c: {  	[tilespmem:s31+$0x0] =	vst v9  }
0x2d: {  	v9 =	vld.idx.msk [tilespmem:v10+s17+$0x0], $0xffff  }
0x2e: {  	v10 =	vor.u32 v6, v8;
	_ =	sdelay $0x3  }
0x2f: {  	[tilespmem:s31+$0x10] =	vst v9  }
0x30: {  	v9 =	vld.idx.msk [tilespmem:v10+s17+$0x0], $0xffff  }
0x31: {  	v8 =	vor.u32 v7, v8;
	_ =	sdelay $0x1  }
0x32: {  	s0 =	simm.s32 $0x1  }
0x33: {  	v10 =	vmov s0;
	s0 =	simm.s32 $0x2  }
.LBB2_3:
0x34: {  	p0 =	sne.s32 s0, $0x3F;
	v10 =	vand.u32 $0x3F, v10;
	[tilespmem:s31+$0x20] =	vst v9  }
0x35: {  	v10 =	vbroadcast v10, $0x0;
	v8 =	vld.idx.msk [tilespmem:v8+s17+$0x0], $0xffff;
	_ =	sdelay $0x1  }
0x36: {  	v9 =	vor.u32 v0, v10;
	_ =	sdelay $0x3  }
0x37: {  	[tilespmem:s31+$0x30] =	vst v8  }
0x38: {  	v8 =	vld.idx.msk [tilespmem:v9+s17+$0x0], $0xffff;
	_ =	sdelay $0x1  }
0x39: {  	v9 =	vor.u32 v1, v10;
	_ =	sdelay $0x2  }
0x3a: {  	s31 =	sadd.s32 $0x80, s31  }
0x3b: {  	[tilespmem:s31+$0xFFFFFFC0] =	vst v8  }
0x3c: {  	v8 =	vld.idx.msk [tilespmem:v9+s17+$0x0], $0xffff;
	_ =	sdelay $0x1  }
0x3d: {  	v9 =	vor.u32 v2, v10;
	_ =	sdelay $0x3  }
0x3e: {  	[tilespmem:s31+$0xFFFFFFD0] =	vst v8  }
0x3f: {  	v8 =	vld.idx.msk [tilespmem:v9+s17+$0x0], $0xffff;
	_ =	sdelay $0x1  }
0x40: {  	v9 =	vor.u32 v3, v10;
	_ =	sdelay $0x3  }
0x41: {  	[tilespmem:s31+$0xFFFFFFE0] =	vst v8  }
0x42: {  	v8 =	vld.idx.msk [tilespmem:v9+s17+$0x0], $0xffff;
	_ =	sdelay $0x1  }
0x43: {  	v9 =	vor.u32 v4, v10;
	_ =	sdelay $0x3  }
0x44: {  	[tilespmem:s31+$0xFFFFFFF0] =	vst v8  }
0x45: {  	v8 =	vld.idx.msk [tilespmem:v9+s17+$0x0], $0xffff;
	_ =	sdelay $0x1  }
0x46: {  	v9 =	vor.u32 v5, v10;
	_ =	sdelay $0x3  }
0x47: {  	[tilespmem:s31+$0x0] =	vst v8  }
0x48: {  	v8 =	vld.idx.msk [tilespmem:v9+s17+$0x0], $0xffff;
	_ =	sdelay $0x1  }
0x49: {  	v9 =	vor.u32 v6, v10;
	_ =	sdelay $0x3  }
0x4a: {  	[tilespmem:s31+$0x10] =	vst v8  }
0x4b: {  	v9 =	vld.idx.msk [tilespmem:v9+s17+$0x0], $0xffff  }
.Ltmp0:
0x4c: {  	(pc) =	sbr.rel @p0 .LBB2_3-.Ltmp0, $2  }
0x4d: {  	v8 =	vor.u32 v7, v10;
	_ =	sdelay $0x2  }
0x4e: {  	v10 =	vmov s0;
	s0 =	sadd.s32 $0x1, s0  }
0x4f: {  	_ =	sdelay $0x1  }
0x50: {  	v10 =	vand.u32 $0x3F, v10  }
0x51: {  	[tilespmem:s31+$0x20] =	vst v9;
	v57 =	vbroadcast v10, $0x0  }
0x52: {  	v8 =	vld.idx.msk [tilespmem:v8+s17+$0x0], $0xffff  }
0x53: {  	v10 =	vor.u32 v0, v57;
	_ =	sdelay $0x3  }
0x54: {  	[tilespmem:s31+$0x30] =	vst v8  }
0x55: {  	v8 =	vld.idx.msk [tilespmem:v10+s17+$0x0], $0xffff  }
0x56: {  	v58 =	vor.u32 v1, v57;
	_ =	sdelay $0x2  }
0x57: {  	s0 =	sadd.s32 $0x80, s31  }
0x58: {  	[tilespmem:s0+$0xFFFFFFC0] =	vst v8  }
0x59: {  	v8 =	vld.idx.msk [tilespmem:v58+s17+$0x0], $0xffff  }
0x5a: {  	v59 =	vor.u32 v2, v57;
	_ =	sdelay $0x3  }
0x5b: {  	[tilespmem:s0+$0xFFFFFFD0] =	vst v8  }
0x5c: {  	v8 =	vld.idx.msk [tilespmem:v59+s17+$0x0], $0xffff  }
0x5d: {  	v60 =	vor.u32 v3, v57;
	_ =	sdelay $0x3  }
0x5e: {  	[tilespmem:s0+$0xFFFFFFE0] =	vst v8  }
0x5f: {  	v8 =	vld.idx.msk [tilespmem:v60+s17+$0x0], $0xffff  }
0x60: {  	v61 =	vor.u32 v4, v57;
	_ =	sdelay $0x3  }
0x61: {  	[tilespmem:s0+$0xFFFFFFF0] =	vst v8  }
0x62: {  	v8 =	vld.idx.msk [tilespmem:v61+s17+$0x0], $0xffff  }
0x63: {  	v62 =	vor.u32 v5, v57;
	_ =	sdelay $0x3  }
0x64: {  	[tilespmem:s0+$0x0] =	vst v8  }
0x65: {  	v8 =	vld.idx.msk [tilespmem:v62+s17+$0x0], $0xffff  }
0x66: {  	v63 =	vor.u32 v6, v57;
	_ =	sdelay $0x3  }
0x67: {  	[tilespmem:s0+$0x10] =	vst v8  }
0x68: {  	v8 =	vld.idx.msk [tilespmem:v63+s17+$0x0], $0xffff  }
0x69: {  	v9 =	vor.u32 v7, v57;
	_ =	sdelay $0x3  }
0x6a: {  	[tilespmem:s0+$0x20] =	vst v8  }
0x6b: {  	v8 =	vld.idx.msk [tilespmem:v9+s17+$0x0], $0xffff;
	_ =	sdelay $0x3  }
0x6c: {  	s30 =	sadd.s32 s6, s30  }
0x6d: {  	s31 =	sadd.s32 s2, s30;
	[tilespmem:s0+$0x30] =	vst v8  }
0x6e: {  	[hbm4b:s31+s3] =	stream.linear.scatter [tilespmem:s19], [sflag:$0x2], $0x400, $0x38;
	[tilespmem:$0x6000] =	vst v63  }
0x6f: {  	_ =	swait.ge [sflag:s15], $0x400  }
0x70: {  	[sflag:s15] =	ssyncset.done $0x0  }
0x71: {  	s31 =	sadd.s32 s30, s7;
	[sflag:s15] =	ssyncadd.s32 $0xFFFFFC00  }
0x72: {  	[hbm4b:s31+s3] =	stream.linear.scatter [tilespmem:s20], [sflag:$0x2], $0x400, $0x38;
	[tilespmem:$0x6000] =	vst v63  }
0x73: {  	_ =	swait.ge [sflag:s15], $0x400  }
0x74: {  	[sflag:s15] =	ssyncset.done $0x0  }
0x75: {  	s31 =	sadd.s32 s30, s8;
	[sflag:s15] =	ssyncadd.s32 $0xFFFFFC00  }
0x76: {  	[hbm4b:s31+s3] =	stream.linear.scatter [tilespmem:s21], [sflag:$0x2], $0x400, $0x38;
	[tilespmem:$0x6000] =	vst v63  }
0x77: {  	_ =	swait.ge [sflag:s15], $0x400  }
0x78: {  	[sflag:s15] =	ssyncset.done $0x0  }
0x79: {  	s31 =	sadd.s32 s30, s9;
	[sflag:s15] =	ssyncadd.s32 $0xFFFFFC00  }
0x7a: {  	[hbm4b:s31+s3] =	stream.linear.scatter [tilespmem:s22], [sflag:$0x2], $0x400, $0x38;
	[tilespmem:$0x6000] =	vst v63  }
0x7b: {  	_ =	swait.ge [sflag:s15], $0x400  }
0x7c: {  	[sflag:s15] =	ssyncset.done $0x0  }
0x7d: {  	s31 =	sadd.s32 s30, s10;
	[sflag:s15] =	ssyncadd.s32 $0xFFFFFC00  }
0x7e: {  	[hbm4b:s31+s3] =	stream.linear.scatter [tilespmem:s23], [sflag:$0x2], $0x400, $0x38;
	[tilespmem:$0x6000] =	vst v63  }
0x7f: {  	_ =	swait.ge [sflag:s15], $0x400  }
0x80: {  	[sflag:s15] =	ssyncset.done $0x0  }
0x81: {  	s31 =	sadd.s32 s30, s11;
	[sflag:s15] =	ssyncadd.s32 $0xFFFFFC00  }
0x82: {  	[hbm4b:s31+s3] =	stream.linear.scatter [tilespmem:s24], [sflag:$0x2], $0x400, $0x38;
	[tilespmem:$0x6000] =	vst v63  }
0x83: {  	_ =	swait.ge [sflag:s15], $0x400  }
0x84: {  	[sflag:s15] =	ssyncset.done $0x0  }
0x85: {  	s31 =	sadd.s32 s30, s12;
	[sflag:s15] =	ssyncadd.s32 $0xFFFFFC00  }
0x86: {  	[hbm4b:s31+s3] =	stream.linear.scatter [tilespmem:s25], [sflag:$0x2], $0x400, $0x38;
	[tilespmem:$0x6000] =	vst v63  }
0x87: {  	s29 =	sadd.s32 $0x1, s29;
	_ =	swait.ge [sflag:s15], $0x400  }
0x88: {  	p0 =	sne.s32 s29, $0x40;
	[sflag:s15] =	ssyncset.done $0x0  }
.Ltmp1:
0x89: {  	s31 =	sadd.s32 s30, s13;
	[sflag:s15] =	ssyncadd.s32 $0xFFFFFC00;
	(pc) =	sbr.rel @p0 .LBB2_2-.Ltmp1, $4  }
0x8a: {  	[hbm4b:s31+s3] =	stream.linear.scatter [tilespmem:s26], [sflag:$0x2], $0x400, $0x38;
	[tilespmem:$0x6000] =	vst v63  }
0x8b: {  	_ =	swait.ge [sflag:s15], $0x400  }
0x8c: {  	[sflag:s15] =	ssyncset.done $0x0  }
0x8d: {  	[sflag:s15] =	ssyncadd.s32 $0xFFFFFC00  }
0x8e: {  	s28 =	sadd.s32 $0x1, s28  }
0x8f: {  	p0 =	sne.s32 s28, s14  }
.Ltmp2:
0x90: {  	_ = 	snop;
	(pc) =	sbr.rel @p0 .LBB2_1-.Ltmp2, $1  }
0x91: {  	_ =	sdelay $0x3  }
0x92: {  	_ =	sfence.sel $0x180000  }
0x93: {  	[bflag:$0x0] =	sbarrier.arrive $0xFFFF  }
0x94: {  	_ =	strace $0x90000047  }
0x95: {  	[bflag:$0x2] =	sbarrier.arrive $0xFFFF  }
0x96: {  	p0 =	sne.s32 s1, $0x0;
	s0 =	rddreg [dreg:$0x2]  }
0x97: {  	s0 =	sadd.s32 @!p0 $0x100000, s0  }
0x98: {  	[sflag:s0] =	ssyncadd.tile.s32 @!p0 $0x1;
	_ =	shalt  }
.Lfunc_end2:
_tile_overlayer_lowered:
.L_overlay_start_2:
0x99: {  	(tag) =	ssettag $0x2  }
0x9a: {  	s0 =	rddreg [dreg:$0x0];
	s2 =	stileid.u32  }
0x9b: {  	s1 =	rddreg [dreg:$0x1];
	p0 =	sne.s32 s2, $0x0  }
0x9c: {  	s3 =	rddreg [dreg:$0x2];
	[bflag:$0x3] =	sbarrier.arrive $0xFFFF;
	s2 =	simm.s32 @!p0 $0x1C02  }
0x9d: {  	[timem:s3], [sflag:s2] =	dma.local @!p0 [hbm:s0], s1  }
0x9e: {  	s0 =	simm.s32 @!p0 $0x2  }
0x9f: {  	_ =	swait.ge @!p0 [sflag:s0], s1  }
0xa0: {  	s1 =	ssub.s32 @!p0 $0x0, s1;
	[sflag:s0] =	ssyncset.done @!p0 $0x0  }
0xa1: {  	[sflag:s0] =	ssyncadd.s32 @!p0 s1  }
0xa2: {  	[bflag:$0x3] =	sbarrier.arrive $0xFFFF  }
0xa3: {  	_ =	shalt  }

</sc_bundles>
